<compile_context>
chip_gen: v7x
topology: tpu7x:2x2x1
jax: 0.10.2.dev20260603
libtpu: 0.0.44.dev20260713+nightly
codegen_flags: <defaults>
</compile_context>

<pallas_src>
import functools

import jax
import jax.numpy as jnp
from jax import lax
from jax.experimental import pallas as pl
from jax.experimental.pallas import tpu as pltpu
from jax.experimental.pallas import tpu_sc as plsc

_T = 2
_D = 128
_NW = 32
_C = 80
_NBUF = 4
_PD = _NBUF - 1


def _sc_body(hm_hbm, h0_hbm, out_hbm, bufs, h0vs, sins, souts):
    n = hm_hbm.shape[0]
    nchunks = n // _C
    nfull = nchunks // _NW
    nrem = nchunks - nfull * _NW
    nc = 2
    wid = lax.axis_index("s") * nc + lax.axis_index("c")
    nj = jnp.where(wid < nrem, nfull + 1, nfull)

    def start_in(j, s):
        b = (wid + j * _NW) * _C
        pltpu.async_copy(hm_hbm.at[pl.ds(b, _C)], bufs[s], sins[s])
        pltpu.async_copy(h0_hbm.at[pl.ds(b, _C)], h0vs[s], sins[s])

    def wait_in(s):
        pltpu.make_async_copy(hm_hbm.at[pl.ds(0, _C)], bufs[s], sins[s]).wait()
        pltpu.make_async_copy(h0_hbm.at[pl.ds(0, _C)], h0vs[s], sins[s]).wait()

    def start_out(j, s):
        b = (wid + j * _NW) * _C
        pltpu.async_copy(bufs[s], out_hbm.at[pl.ds(b, _C)], souts[s])

    def wait_out(s):
        pltpu.make_async_copy(bufs[s], out_hbm.at[pl.ds(0, _C)], souts[s]).wait()

    for k in range(_PD):
        @pl.when(nj > k)
        def _(k=k):
            start_in(k, k)

    def step(j, slot):
        buf = bufs[slot]
        h0v = h0vs[slot]
        wait_in(slot)

        @plsc.parallel_loop(0, _C, unroll=2)
        def _row(r):
            for k in range(_D // 16):
                sl = pl.ds(k * 16, 16)
                hv = h0v[r, sl]
                plsc.addupdate(buf.at[r, 0, sl], hv)
                plsc.addupdate(buf.at[r, 1, sl], hv)
        start_out(j, slot)

        nxt = j + _PD
        nxt_slot = (slot + _PD) % _NBUF

        @pl.when(nxt < nj)
        def _():
            @pl.when(j >= _NBUF - _PD)
            def _():
                wait_out(nxt_slot)

            start_in(nxt, nxt_slot)

    def outer(jo, _):
        for s in range(_NBUF):
            j = jo * _NBUF + s

            @pl.when(j < nj)
            def _():
                step(j, s)

        return 0

    max_nj = nfull + (1 if nrem else 0)
    lax.fori_loop(0, (max_nj + _NBUF - 1) // _NBUF, outer, 0)

    for back in range(1, _NBUF + 1):
        for s in range(_NBUF):
            @pl.when(jnp.logical_and(nj >= back, (nj - back) % _NBUF == s))
            def _():
                wait_out(s)


def kernel(hm, h0):
    n, t, d = hm.shape
    mesh = plsc.VectorSubcoreMesh(core_axis_name="c", subcore_axis_name="s")
    f = functools.partial(
        pl.kernel,
        mesh=mesh,
        out_type=jax.ShapeDtypeStruct((n, t, d), jnp.float32),
        scratch_types=[
            [pltpu.VMEM((_C, _T, _D), jnp.float32) for _ in range(_NBUF)],
            [pltpu.VMEM((_C, _D), jnp.float32) for _ in range(_NBUF)],
            [pltpu.SemaphoreType.DMA for _ in range(_NBUF)],
            [pltpu.SemaphoreType.DMA for _ in range(_NBUF)],
        ],
    )(_sc_body)
    return f(hm, h0)

# --- scband reference (transcript-rebuilt; emitter-appended) ---
"""Pipeline reference for scband-sum-updator-15899968930397 (READ-ONLY COPY).

The authoritative reference and input builder live on the scoring server;
editing this copy changes nothing except your own understanding.
"""

import jax, jax.numpy as jnp
import numpy as np

N = 100000
N_INTYPE = 2
HIDDEN_DIM = 128

def setup_inputs(seed: int = 0) -> dict:
    key = jax.random.key(seed)
    k1, k2 = jax.random.split(key)
    hm = jax.random.normal(k1, (N, N_INTYPE, HIDDEN_DIM), dtype=jnp.float32)
    h0 = jax.random.normal(k2, (N, HIDDEN_DIM), dtype=jnp.float32)
    return {"hm": hm, "h0": h0}

def reference(hm, h0):
    # SumUpdator.forward for the single dst ntype 'item':
    #   hm = mfg.dstdata['hm']['item']            # [N, n_intype, hidden_dim]
    #   n_intype = hm.shape[1]
    #   hm = hm.view(-1, n_intype, hidden_dim)
    #   h0_dst = h0['item'].unsqueeze(1).expand(-1, n_intype, -1)
    #   out = hm + h0_dst
    n_intype = hm.shape[1]
    hm_r = hm.reshape(-1, n_intype, HIDDEN_DIM)
    h0_dst = jnp.broadcast_to(h0[:, None, :], hm_r.shape)
    out = hm_r + h0_dst
    return out

if __name__ == "__main__":
    import jax
    _d = setup_inputs()
    print(jax.jit(kernel)(*tuple(_d.values())))

</pallas_src>

<mosaic_0001>
#map = affine_map<(d0, d1) -> (0, 0, 0)>
#map1 = affine_map<(d0, d1) -> (0, 0)>
module attributes {stable_mosaic.version = 14 : i64} {
  func.func @_sc_body(%arg0: i32, %arg1: i32, %arg2: memref<100000x2x128xf32, #tpu.memory_space<hbm>>, %arg3: memref<100000x128xf32, #tpu.memory_space<hbm>>, %arg4: memref<100000x2x128xf32, #tpu.memory_space<hbm>>, %arg5: memref<80x2x128xf32, #tpu.memory_space<vmem>>, %arg6: memref<80x2x128xf32, #tpu.memory_space<vmem>>, %arg7: memref<80x2x128xf32, #tpu.memory_space<vmem>>, %arg8: memref<80x2x128xf32, #tpu.memory_space<vmem>>, %arg9: memref<80x128xf32, #tpu.memory_space<vmem>>, %arg10: memref<80x128xf32, #tpu.memory_space<vmem>>, %arg11: memref<80x128xf32, #tpu.memory_space<vmem>>, %arg12: memref<80x128xf32, #tpu.memory_space<vmem>>, %arg13: memref<!tpu.dma_semaphore, #tpu.memory_space<semaphore_mem>>, %arg14: memref<!tpu.dma_semaphore, #tpu.memory_space<semaphore_mem>>, %arg15: memref<!tpu.dma_semaphore, #tpu.memory_space<semaphore_mem>>, %arg16: memref<!tpu.dma_semaphore, #tpu.memory_space<semaphore_mem>>, %arg17: memref<!tpu.dma_semaphore, #tpu.memory_space<semaphore_mem>>, %arg18: memref<!tpu.dma_semaphore, #tpu.memory_space<semaphore_mem>>, %arg19: memref<!tpu.dma_semaphore, #tpu.memory_space<semaphore_mem>>, %arg20: memref<!tpu.dma_semaphore, #tpu.memory_space<semaphore_mem>>) attributes {dimension_semantics = [#tpu.dimension_semantics<core_parallel>, #tpu.dimension_semantics<subcore_parallel>], iteration_bounds = array<i64: 2, 16>, scalar_prefetch = 0 : i64, scratch_operands = 16 : i64, tpu.core_type = #tpu.core_type<sc_vector_subcore>, window_params = [{transform_indices = #map}, {transform_indices = #map1}, {transform_indices = #map}]} {
    %mul3A = arith.constant 2 : i32
    %mul3A_0 = arith.muli %arg1, %mul3A : i32
    %add3A = arith.addi %mul3A_0, %arg0 : i32
    %lt3A = arith.constant 2 : i32
    %lt3A_1 = arith.cmpi slt, %add3A, %lt3A : i32
    %jit3A = arith.constant 40 : i32
    %jit3A_2 = arith.constant 39 : i32
    %select_n3A = arith.select %lt3A_1, %jit3A, %jit3A_2 : i32
    %gt3A = arith.constant 0 : i32
    %gt3A_3 = arith.cmpi sgt, %select_n3A, %gt3A : i32
    %convert_element_type3A = arith.extui %gt3A_3 : i1 to i32
    %cond3A = arith.constant 0 : i32
    %cond3A_4 = arith.cmpi ne, %convert_element_type3A, %cond3A : i32
    scf.if %cond3A_4 {
      %add3A_431 = arith.constant 0 : i32
      %add3A_432 = arith.addi %add3A, %add3A_431 : i32
      %mul3A_433 = arith.constant 80 : i32
      %mul3A_434 = arith.muli %add3A_432, %mul3A_433 : i32
      %dma_start3A = arith.constant 0 : i32
      %dma_start3A_435 = arith.constant 0 : i32
      %dma_start3A_436 = tpu.memref_slice %arg2[%mul3A_434, %dma_start3A, %dma_start3A_435] : memref<100000x2x128xf32, #tpu.memory_space<hbm>> -> memref<80x2x128xf32, #tpu.memory_space<hbm>>
      %dma_start3A_437 = arith.constant 0 : i32
      %dma_start3A_438 = arith.constant 0 : i32
      %dma_start3A_439 = tpu.memref_slice %arg2[%mul3A_434, %dma_start3A_437, %dma_start3A_438] : memref<100000x2x128xf32, #tpu.memory_space<hbm>> -> memref<80x2x128xf32, #tpu.memory_space<hbm>>
      tpu.enqueue_dma source(%dma_start3A_439 : memref<80x2x128xf32, #tpu.memory_space<hbm>>) target(%arg5 : memref<80x2x128xf32, #tpu.memory_space<vmem>>) target_semaphore(%arg13 : memref<!tpu.dma_semaphore, #tpu.memory_space<semaphore_mem>>)
      %dma_start3A_440 = arith.constant 0 : i32
      %dma_start3A_441 = tpu.memref_slice %arg3[%mul3A_434, %dma_start3A_440] : memref<100000x128xf32, #tpu.memory_space<hbm>> -> memref<80x128xf32, #tpu.memory_space<hbm>>
      %dma_start3A_442 = arith.constant 0 : i32
      %dma_start3A_443 = tpu.memref_slice %arg3[%mul3A_434, %dma_start3A_442] : memref<100000x128xf32, #tpu.memory_space<hbm>> -> memref<80x128xf32, #tpu.memory_space<hbm>>
      tpu.enqueue_dma source(%dma_start3A_443 : memref<80x128xf32, #tpu.memory_space<hbm>>) target(%arg9 : memref<80x128xf32, #tpu.memory_space<vmem>>) target_semaphore(%arg13 : memref<!tpu.dma_semaphore, #tpu.memory_space<semaphore_mem>>)
    } else {
    }
    %gt3A_5 = arith.constant 1 : i32
    %gt3A_6 = arith.cmpi sgt, %select_n3A, %gt3A_5 : i32
    %convert_element_type3A_7 = arith.extui %gt3A_6 : i1 to i32
    %cond3A_8 = arith.constant 0 : i32
    %cond3A_9 = arith.cmpi ne, %convert_element_type3A_7, %cond3A_8 : i32
    scf.if %cond3A_9 {
      %add3A_431 = arith.constant 32 : i32
      %add3A_432 = arith.addi %add3A, %add3A_431 : i32
      %mul3A_433 = arith.constant 80 : i32
      %mul3A_434 = arith.muli %add3A_432, %mul3A_433 : i32
      %dma_start3A = arith.constant 0 : i32
      %dma_start3A_435 = arith.constant 0 : i32
      %dma_start3A_436 = tpu.memref_slice %arg2[%mul3A_434, %dma_start3A, %dma_start3A_435] : memref<100000x2x128xf32, #tpu.memory_space<hbm>> -> memref<80x2x128xf32, #tpu.memory_space<hbm>>
      %dma_start3A_437 = arith.constant 0 : i32
      %dma_start3A_438 = arith.constant 0 : i32
      %dma_start3A_439 = tpu.memref_slice %arg2[%mul3A_434, %dma_start3A_437, %dma_start3A_438] : memref<100000x2x128xf32, #tpu.memory_space<hbm>> -> memref<80x2x128xf32, #tpu.memory_space<hbm>>
      tpu.enqueue_dma source(%dma_start3A_439 : memref<80x2x128xf32, #tpu.memory_space<hbm>>) target(%arg6 : memref<80x2x128xf32, #tpu.memory_space<vmem>>) target_semaphore(%arg14 : memref<!tpu.dma_semaphore, #tpu.memory_space<semaphore_mem>>)
      %dma_start3A_440 = arith.constant 0 : i32
      %dma_start3A_441 = tpu.memref_slice %arg3[%mul3A_434, %dma_start3A_440] : memref<100000x128xf32, #tpu.memory_space<hbm>> -> memref<80x128xf32, #tpu.memory_space<hbm>>
      %dma_start3A_442 = arith.constant 0 : i32
      %dma_start3A_443 = tpu.memref_slice %arg3[%mul3A_434, %dma_start3A_442] : memref<100000x128xf32, #tpu.memory_space<hbm>> -> memref<80x128xf32, #tpu.memory_space<hbm>>
      tpu.enqueue_dma source(%dma_start3A_443 : memref<80x128xf32, #tpu.memory_space<hbm>>) target(%arg10 : memref<80x128xf32, #tpu.memory_space<vmem>>) target_semaphore(%arg14 : memref<!tpu.dma_semaphore, #tpu.memory_space<semaphore_mem>>)
    } else {
    }
    %gt3A_10 = arith.constant 2 : i32
    %gt3A_11 = arith.cmpi sgt, %select_n3A, %gt3A_10 : i32
    %convert_element_type3A_12 = arith.extui %gt3A_11 : i1 to i32
    %cond3A_13 = arith.constant 0 : i32
    %cond3A_14 = arith.cmpi ne, %convert_element_type3A_12, %cond3A_13 : i32
    scf.if %cond3A_14 {
      %add3A_431 = arith.constant 64 : i32
      %add3A_432 = arith.addi %add3A, %add3A_431 : i32
      %mul3A_433 = arith.constant 80 : i32
      %mul3A_434 = arith.muli %add3A_432, %mul3A_433 : i32
      %dma_start3A = arith.constant 0 : i32
      %dma_start3A_435 = arith.constant 0 : i32
      %dma_start3A_436 = tpu.memref_slice %arg2[%mul3A_434, %dma_start3A, %dma_start3A_435] : memref<100000x2x128xf32, #tpu.memory_space<hbm>> -> memref<80x2x128xf32, #tpu.memory_space<hbm>>
      %dma_start3A_437 = arith.constant 0 : i32
      %dma_start3A_438 = arith.constant 0 : i32
      %dma_start3A_439 = tpu.memref_slice %arg2[%mul3A_434, %dma_start3A_437, %dma_start3A_438] : memref<100000x2x128xf32, #tpu.memory_space<hbm>> -> memref<80x2x128xf32, #tpu.memory_space<hbm>>
      tpu.enqueue_dma source(%dma_start3A_439 : memref<80x2x128xf32, #tpu.memory_space<hbm>>) target(%arg7 : memref<80x2x128xf32, #tpu.memory_space<vmem>>) target_semaphore(%arg15 : memref<!tpu.dma_semaphore, #tpu.memory_space<semaphore_mem>>)
      %dma_start3A_440 = arith.constant 0 : i32
      %dma_start3A_441 = tpu.memref_slice %arg3[%mul3A_434, %dma_start3A_440] : memref<100000x128xf32, #tpu.memory_space<hbm>> -> memref<80x128xf32, #tpu.memory_space<hbm>>
      %dma_start3A_442 = arith.constant 0 : i32
      %dma_start3A_443 = tpu.memref_slice %arg3[%mul3A_434, %dma_start3A_442] : memref<100000x128xf32, #tpu.memory_space<hbm>> -> memref<80x128xf32, #tpu.memory_space<hbm>>
      tpu.enqueue_dma source(%dma_start3A_443 : memref<80x128xf32, #tpu.memory_space<hbm>>) target(%arg11 : memref<80x128xf32, #tpu.memory_space<vmem>>) target_semaphore(%arg15 : memref<!tpu.dma_semaphore, #tpu.memory_space<semaphore_mem>>)
    } else {
    }
    %scan3A = arith.constant 0 : i32
    %scan3A_15 = arith.constant 0 : i32
    %scan3A_16 = arith.constant 10 : i32
    %scan3A_17 = arith.addi %scan3A_15, %scan3A_16 : i32
    %scan3A_18 = arith.constant 1 : i32
    %scan3A_19 = scf.for %scan3A_431 = %scan3A_15 to %scan3A_17 step %scan3A_18 iter_args(%scan3A_432 = %scan3A) -> (i32)  : i32 {
      %mul3A_433 = arith.constant 4 : i32
      %mul3A_434 = arith.muli %scan3A_431, %mul3A_433 : i32
      %add3A_435 = arith.constant 0 : i32
      %add3A_436 = arith.addi %mul3A_434, %add3A_435 : i32
      %lt3A_437 = arith.cmpi slt, %add3A_436, %select_n3A : i32
      %convert_element_type3A_438 = arith.extui %lt3A_437 : i1 to i32
      %cond3A_439 = arith.constant 0 : i32
      %cond3A_440 = arith.cmpi ne, %convert_element_type3A_438, %cond3A_439 : i32
      scf.if %cond3A_440 {
        %dma_wait3A = arith.constant 0 : i32
        %dma_wait3A_466 = arith.constant 0 : i32
        %dma_wait3A_467 = arith.constant 0 : i32
        %dma_wait3A_468 = tpu.memref_slice %arg2[%dma_wait3A, %dma_wait3A_466, %dma_wait3A_467] : memref<100000x2x128xf32, #tpu.memory_space<hbm>> -> memref<80x2x128xf32, #tpu.memory_space<hbm>>
        %dma_wait3A_469 = arith.constant 0 : i32
        %dma_wait3A_470 = arith.constant 0 : i32
        %dma_wait3A_471 = arith.constant 0 : i32
        %dma_wait3A_472 = tpu.memref_slice %arg2[%dma_wait3A_469, %dma_wait3A_470, %dma_wait3A_471] : memref<100000x2x128xf32, #tpu.memory_space<hbm>> -> memref<80x2x128xf32, #tpu.memory_space<hbm>>
        tpu.wait_dma2 semaphore(%arg13 : memref<!tpu.dma_semaphore, #tpu.memory_space<semaphore_mem>>) src(%dma_wait3A_472 : memref<80x2x128xf32, #tpu.memory_space<hbm>>) dst(%arg5 : memref<80x2x128xf32, #tpu.memory_space<vmem>>)
        %dma_wait3A_473 = arith.constant 0 : i32
        %dma_wait3A_474 = arith.constant 0 : i32
        %dma_wait3A_475 = tpu.memref_slice %arg3[%dma_wait3A_473, %dma_wait3A_474] : memref<100000x128xf32, #tpu.memory_space<hbm>> -> memref<80x128xf32, #tpu.memory_space<hbm>>
        %dma_wait3A_476 = arith.constant 0 : i32
        %dma_wait3A_477 = arith.constant 0 : i32
        %dma_wait3A_478 = tpu.memref_slice %arg3[%dma_wait3A_476, %dma_wait3A_477] : memref<100000x128xf32, #tpu.memory_space<hbm>> -> memref<80x128xf32, #tpu.memory_space<hbm>>
        tpu.wait_dma2 semaphore(%arg13 : memref<!tpu.dma_semaphore, #tpu.memory_space<semaphore_mem>>) src(%dma_wait3A_478 : memref<80x128xf32, #tpu.memory_space<hbm>>) dst(%arg9 : memref<80x128xf32, #tpu.memory_space<vmem>>)
        %parallel_loop3A = arith.constant 0 : i32
        %parallel_loop3A_479 = arith.constant 80 : i32
        %parallel_loop3A_480 = arith.constant 1 : i32
        scf.for %parallel_loop3A_497 = %parallel_loop3A to %parallel_loop3A_479 step %parallel_loop3A_480  : i32 {
          %parallel_loop3A_498 = arith.index_cast %parallel_loop3A_497 : i32 to index
          %parallel_loop3A_499 = arith.constant 0 : index
          %parallel_loop3A_500 = tpu.vector_load %arg9[%parallel_loop3A_498, %parallel_loop3A_499] {strides = array<i32>} : memref<80x128xf32, #tpu.memory_space<vmem>>, vector<1x16xf32>,
          %parallel_loop3A_501 = vector.shape_cast %parallel_loop3A_500 : vector<1x16xf32> to vector<16xf32>
          %parallel_loop3A_502 = arith.constant 0 : i32
          %parallel_loop3A_503 = arith.index_cast %parallel_loop3A_497 : i32 to index
          %parallel_loop3A_504 = arith.index_cast %parallel_loop3A_502 : i32 to index
          %parallel_loop3A_505 = arith.constant 0 : index
          %parallel_loop3A_506 = tpu.vector_load %arg5[%parallel_loop3A_503, %parallel_loop3A_504, %parallel_loop3A_505] {strides = array<i32>} : memref<80x2x128xf32, #tpu.memory_space<vmem>>, vector<1x1x16xf32>,
          %parallel_loop3A_507 = vector.shape_cast %parallel_loop3A_506 : vector<1x1x16xf32> to vector<16xf32>
          %parallel_loop3A_508 = vector.shape_cast %parallel_loop3A_501 : vector<16xf32> to vector<1x1x16xf32>
          tpu.vector_store %arg5[%parallel_loop3A_503, %parallel_loop3A_504, %parallel_loop3A_505], %parallel_loop3A_508 {add = true, strides = array<i32>} : memref<80x2x128xf32, #tpu.memory_space<vmem>>, vector<1x1x16xf32>,
          %parallel_loop3A_509 = arith.constant 1 : i32
          %parallel_loop3A_510 = arith.index_cast %parallel_loop3A_497 : i32 to index
          %parallel_loop3A_511 = arith.index_cast %parallel_loop3A_509 : i32 to index
          %parallel_loop3A_512 = arith.constant 0 : index
          %parallel_loop3A_513 = tpu.vector_load %arg5[%parallel_loop3A_510, %parallel_loop3A_511, %parallel_loop3A_512] {strides = array<i32>} : memref<80x2x128xf32, #tpu.memory_space<vmem>>, vector<1x1x16xf32>,
          %parallel_loop3A_514 = vector.shape_cast %parallel_loop3A_513 : vector<1x1x16xf32> to vector<16xf32>
          %parallel_loop3A_515 = vector.shape_cast %parallel_loop3A_501 : vector<16xf32> to vector<1x1x16xf32>
          tpu.vector_store %arg5[%parallel_loop3A_510, %parallel_loop3A_511, %parallel_loop3A_512], %parallel_loop3A_515 {add = true, strides = array<i32>} : memref<80x2x128xf32, #tpu.memory_space<vmem>>, vector<1x1x16xf32>,
          %parallel_loop3A_516 = arith.index_cast %parallel_loop3A_497 : i32 to index
          %parallel_loop3A_517 = arith.constant 16 : index
          %parallel_loop3A_518 = tpu.vector_load %arg9[%parallel_loop3A_516, %parallel_loop3A_517] {strides = array<i32>} : memref<80x128xf32, #tpu.memory_space<vmem>>, vector<1x16xf32>,
          %parallel_loop3A_519 = vector.shape_cast %parallel_loop3A_518 : vector<1x16xf32> to vector<16xf32>
          %parallel_loop3A_520 = arith.constant 0 : i32
          %parallel_loop3A_521 = arith.index_cast %parallel_loop3A_497 : i32 to index
          %parallel_loop3A_522 = arith.index_cast %parallel_loop3A_520 : i32 to index
          %parallel_loop3A_523 = arith.constant 16 : index
          %parallel_loop3A_524 = tpu.vector_load %arg5[%parallel_loop3A_521, %parallel_loop3A_522, %parallel_loop3A_523] {strides = array<i32>} : memref<80x2x128xf32, #tpu.memory_space<vmem>>, vector<1x1x16xf32>,
          %parallel_loop3A_525 = vector.shape_cast %parallel_loop3A_524 : vector<1x1x16xf32> to vector<16xf32>
          %parallel_loop3A_526 = vector.shape_cast %parallel_loop3A_519 : vector<16xf32> to vector<1x1x16xf32>
          tpu.vector_store %arg5[%parallel_loop3A_521, %parallel_loop3A_522, %parallel_loop3A_523], %parallel_loop3A_526 {add = true, strides = array<i32>} : memref<80x2x128xf32, #tpu.memory_space<vmem>>, vector<1x1x16xf32>,
          %parallel_loop3A_527 = arith.constant 1 : i32
          %parallel_loop3A_528 = arith.index_cast %parallel_loop3A_497 : i32 to index
          %parallel_loop3A_529 = arith.index_cast %parallel_loop3A_527 : i32 to index
          %parallel_loop3A_530 = arith.constant 16 : index
          %parallel_loop3A_531 = tpu.vector_load %arg5[%parallel_loop3A_528, %parallel_loop3A_529, %parallel_loop3A_530] {strides = array<i32>} : memref<80x2x128xf32, #tpu.memory_space<vmem>>, vector<1x1x16xf32>,
          %parallel_loop3A_532 = vector.shape_cast %parallel_loop3A_531 : vector<1x1x16xf32> to vector<16xf32>
          %parallel_loop3A_533 = vector.shape_cast %parallel_loop3A_519 : vector<16xf32> to vector<1x1x16xf32>
          tpu.vector_store %arg5[%parallel_loop3A_528, %parallel_loop3A_529, %parallel_loop3A_530], %parallel_loop3A_533 {add = true, strides = array<i32>} : memref<80x2x128xf32, #tpu.memory_space<vmem>>, vector<1x1x16xf32>,
          %parallel_loop3A_534 = arith.index_cast %parallel_loop3A_497 : i32 to index
          %parallel_loop3A_535 = arith.constant 32 : index
          %parallel_loop3A_536 = tpu.vector_load %arg9[%parallel_loop3A_534, %parallel_loop3A_535] {strides = array<i32>} : memref<80x128xf32, #tpu.memory_space<vmem>>, vector<1x16xf32>,
          %parallel_loop3A_537 = vector.shape_cast %parallel_loop3A_536 : vector<1x16xf32> to vector<16xf32>
          %parallel_loop3A_538 = arith.constant 0 : i32
          %parallel_loop3A_539 = arith.index_cast %parallel_loop3A_497 : i32 to index
          %parallel_loop3A_540 = arith.index_cast %parallel_loop3A_538 : i32 to index
          %parallel_loop3A_541 = arith.constant 32 : index
          %parallel_loop3A_542 = tpu.vector_load %arg5[%parallel_loop3A_539, %parallel_loop3A_540, %parallel_loop3A_541] {strides = array<i32>} : memref<80x2x128xf32, #tpu.memory_space<vmem>>, vector<1x1x16xf32>,
          %parallel_loop3A_543 = vector.shape_cast %parallel_loop3A_542 : vector<1x1x16xf32> to vector<16xf32>
          %parallel_loop3A_544 = vector.shape_cast %parallel_loop3A_537 : vector<16xf32> to vector<1x1x16xf32>
          tpu.vector_store %arg5[%parallel_loop3A_539, %parallel_loop3A_540, %parallel_loop3A_541], %parallel_loop3A_544 {add = true, strides = array<i32>} : memref<80x2x128xf32, #tpu.memory_space<vmem>>, vector<1x1x16xf32>,
          %parallel_loop3A_545 = arith.constant 1 : i32
          %parallel_loop3A_546 = arith.index_cast %parallel_loop3A_497 : i32 to index
          %parallel_loop3A_547 = arith.index_cast %parallel_loop3A_545 : i32 to index
          %parallel_loop3A_548 = arith.constant 32 : index
          %parallel_loop3A_549 = tpu.vector_load %arg5[%parallel_loop3A_546, %parallel_loop3A_547, %parallel_loop3A_548] {strides = array<i32>} : memref<80x2x128xf32, #tpu.memory_space<vmem>>, vector<1x1x16xf32>,
          %parallel_loop3A_550 = vector.shape_cast %parallel_loop3A_549 : vector<1x1x16xf32> to vector<16xf32>
          %parallel_loop3A_551 = vector.shape_cast %parallel_loop3A_537 : vector<16xf32> to vector<1x1x16xf32>
          tpu.vector_store %arg5[%parallel_loop3A_546, %parallel_loop3A_547, %parallel_loop3A_548], %parallel_loop3A_551 {add = true, strides = array<i32>} : memref<80x2x128xf32, #tpu.memory_space<vmem>>, vector<1x1x16xf32>,
          %parallel_loop3A_552 = arith.index_cast %parallel_loop3A_497 : i32 to index
          %parallel_loop3A_553 = arith.constant 48 : index
          %parallel_loop3A_554 = tpu.vector_load %arg9[%parallel_loop3A_552, %parallel_loop3A_553] {strides = array<i32>} : memref<80x128xf32, #tpu.memory_space<vmem>>, vector<1x16xf32>,
          %parallel_loop3A_555 = vector.shape_cast %parallel_loop3A_554 : vector<1x16xf32> to vector<16xf32>
          %parallel_loop3A_556 = arith.constant 0 : i32
          %parallel_loop3A_557 = arith.index_cast %parallel_loop3A_497 : i32 to index
          %parallel_loop3A_558 = arith.index_cast %parallel_loop3A_556 : i32 to index
          %parallel_loop3A_559 = arith.constant 48 : index
          %parallel_loop3A_560 = tpu.vector_load %arg5[%parallel_loop3A_557, %parallel_loop3A_558, %parallel_loop3A_559] {strides = array<i32>} : memref<80x2x128xf32, #tpu.memory_space<vmem>>, vector<1x1x16xf32>,
          %parallel_loop3A_561 = vector.shape_cast %parallel_loop3A_560 : vector<1x1x16xf32> to vector<16xf32>
          %parallel_loop3A_562 = vector.shape_cast %parallel_loop3A_555 : vector<16xf32> to vector<1x1x16xf32>
          tpu.vector_store %arg5[%parallel_loop3A_557, %parallel_loop3A_558, %parallel_loop3A_559], %parallel_loop3A_562 {add = true, strides = array<i32>} : memref<80x2x128xf32, #tpu.memory_space<vmem>>, vector<1x1x16xf32>,
          %parallel_loop3A_563 = arith.constant 1 : i32
          %parallel_loop3A_564 = arith.index_cast %parallel_loop3A_497 : i32 to index
          %parallel_loop3A_565 = arith.index_cast %parallel_loop3A_563 : i32 to index
          %parallel_loop3A_566 = arith.constant 48 : index
          %parallel_loop3A_567 = tpu.vector_load %arg5[%parallel_loop3A_564, %parallel_loop3A_565, %parallel_loop3A_566] {strides = array<i32>} : memref<80x2x128xf32, #tpu.memory_space<vmem>>, vector<1x1x16xf32>,
          %parallel_loop3A_568 = vector.shape_cast %parallel_loop3A_567 : vector<1x1x16xf32> to vector<16xf32>
          %parallel_loop3A_569 = vector.shape_cast %parallel_loop3A_555 : vector<16xf32> to vector<1x1x16xf32>
          tpu.vector_store %arg5[%parallel_loop3A_564, %parallel_loop3A_565, %parallel_loop3A_566], %parallel_loop3A_569 {add = true, strides = array<i32>} : memref<80x2x128xf32, #tpu.memory_space<vmem>>, vector<1x1x16xf32>,
          %parallel_loop3A_570 = arith.index_cast %parallel_loop3A_497 : i32 to index
          %parallel_loop3A_571 = arith.constant 64 : index
          %parallel_loop3A_572 = tpu.vector_load %arg9[%parallel_loop3A_570, %parallel_loop3A_571] {strides = array<i32>} : memref<80x128xf32, #tpu.memory_space<vmem>>, vector<1x16xf32>,
          %parallel_loop3A_573 = vector.shape_cast %parallel_loop3A_572 : vector<1x16xf32> to vector<16xf32>
          %parallel_loop3A_574 = arith.constant 0 : i32
          %parallel_loop3A_575 = arith.index_cast %parallel_loop3A_497 : i32 to index
          %parallel_loop3A_576 = arith.index_cast %parallel_loop3A_574 : i32 to index
          %parallel_loop3A_577 = arith.constant 64 : index
          %parallel_loop3A_578 = tpu.vector_load %arg5[%parallel_loop3A_575, %parallel_loop3A_576, %parallel_loop3A_577] {strides = array<i32>} : memref<80x2x128xf32, #tpu.memory_space<vmem>>, vector<1x1x16xf32>,
          %parallel_loop3A_579 = vector.shape_cast %parallel_loop3A_578 : vector<1x1x16xf32> to vector<16xf32>
          %parallel_loop3A_580 = vector.shape_cast %parallel_loop3A_573 : vector<16xf32> to vector<1x1x16xf32>
          tpu.vector_store %arg5[%parallel_loop3A_575, %parallel_loop3A_576, %parallel_loop3A_577], %parallel_loop3A_580 {add = true, strides = array<i32>} : memref<80x2x128xf32, #tpu.memory_space<vmem>>, vector<1x1x16xf32>,
          %parallel_loop3A_581 = arith.constant 1 : i32
          %parallel_loop3A_582 = arith.index_cast %parallel_loop3A_497 : i32 to index
          %parallel_loop3A_583 = arith.index_cast %parallel_loop3A_581 : i32 to index
          %parallel_loop3A_584 = arith.constant 64 : index
          %parallel_loop3A_585 = tpu.vector_load %arg5[%parallel_loop3A_582, %parallel_loop3A_583, %parallel_loop3A_584] {strides = array<i32>} : memref<80x2x128xf32, #tpu.memory_space<vmem>>, vector<1x1x16xf32>,
          %parallel_loop3A_586 = vector.shape_cast %parallel_loop3A_585 : vector<1x1x16xf32> to vector<16xf32>
          %parallel_loop3A_587 = vector.shape_cast %parallel_loop3A_573 : vector<16xf32> to vector<1x1x16xf32>
          tpu.vector_store %arg5[%parallel_loop3A_582, %parallel_loop3A_583, %parallel_loop3A_584], %parallel_loop3A_587 {add = true, strides = array<i32>} : memref<80x2x128xf32, #tpu.memory_space<vmem>>, vector<1x1x16xf32>,
          %parallel_loop3A_588 = arith.index_cast %parallel_loop3A_497 : i32 to index
          %parallel_loop3A_589 = arith.constant 80 : index
          %parallel_loop3A_590 = tpu.vector_load %arg9[%parallel_loop3A_588, %parallel_loop3A_589] {strides = array<i32>} : memref<80x128xf32, #tpu.memory_space<vmem>>, vector<1x16xf32>,
          %parallel_loop3A_591 = vector.shape_cast %parallel_loop3A_590 : vector<1x16xf32> to vector<16xf32>
          %parallel_loop3A_592 = arith.constant 0 : i32
          %parallel_loop3A_593 = arith.index_cast %parallel_loop3A_497 : i32 to index
          %parallel_loop3A_594 = arith.index_cast %parallel_loop3A_592 : i32 to index
          %parallel_loop3A_595 = arith.constant 80 : index
          %parallel_loop3A_596 = tpu.vector_load %arg5[%parallel_loop3A_593, %parallel_loop3A_594, %parallel_loop3A_595] {strides = array<i32>} : memref<80x2x128xf32, #tpu.memory_space<vmem>>, vector<1x1x16xf32>,
          %parallel_loop3A_597 = vector.shape_cast %parallel_loop3A_596 : vector<1x1x16xf32> to vector<16xf32>
          %parallel_loop3A_598 = vector.shape_cast %parallel_loop3A_591 : vector<16xf32> to vector<1x1x16xf32>
          tpu.vector_store %arg5[%parallel_loop3A_593, %parallel_loop3A_594, %parallel_loop3A_595], %parallel_loop3A_598 {add = true, strides = array<i32>} : memref<80x2x128xf32, #tpu.memory_space<vmem>>, vector<1x1x16xf32>,
          %parallel_loop3A_599 = arith.constant 1 : i32
          %parallel_loop3A_600 = arith.index_cast %parallel_loop3A_497 : i32 to index
          %parallel_loop3A_601 = arith.index_cast %parallel_loop3A_599 : i32 to index
          %parallel_loop3A_602 = arith.constant 80 : index
          %parallel_loop3A_603 = tpu.vector_load %arg5[%parallel_loop3A_600, %parallel_loop3A_601, %parallel_loop3A_602] {strides = array<i32>} : memref<80x2x128xf32, #tpu.memory_space<vmem>>, vector<1x1x16xf32>,
          %parallel_loop3A_604 = vector.shape_cast %parallel_loop3A_603 : vector<1x1x16xf32> to vector<16xf32>
          %parallel_loop3A_605 = vector.shape_cast %parallel_loop3A_591 : vector<16xf32> to vector<1x1x16xf32>
          tpu.vector_store %arg5[%parallel_loop3A_600, %parallel_loop3A_601, %parallel_loop3A_602], %parallel_loop3A_605 {add = true, strides = array<i32>} : memref<80x2x128xf32, #tpu.memory_space<vmem>>, vector<1x1x16xf32>,
          %parallel_loop3A_606 = arith.index_cast %parallel_loop3A_497 : i32 to index
          %parallel_loop3A_607 = arith.constant 96 : index
          %parallel_loop3A_608 = tpu.vector_load %arg9[%parallel_loop3A_606, %parallel_loop3A_607] {strides = array<i32>} : memref<80x128xf32, #tpu.memory_space<vmem>>, vector<1x16xf32>,
          %parallel_loop3A_609 = vector.shape_cast %parallel_loop3A_608 : vector<1x16xf32> to vector<16xf32>
          %parallel_loop3A_610 = arith.constant 0 : i32
          %parallel_loop3A_611 = arith.index_cast %parallel_loop3A_497 : i32 to index
          %parallel_loop3A_612 = arith.index_cast %parallel_loop3A_610 : i32 to index
          %parallel_loop3A_613 = arith.constant 96 : index
          %parallel_loop3A_614 = tpu.vector_load %arg5[%parallel_loop3A_611, %parallel_loop3A_612, %parallel_loop3A_613] {strides = array<i32>} : memref<80x2x128xf32, #tpu.memory_space<vmem>>, vector<1x1x16xf32>,
          %parallel_loop3A_615 = vector.shape_cast %parallel_loop3A_614 : vector<1x1x16xf32> to vector<16xf32>
          %parallel_loop3A_616 = vector.shape_cast %parallel_loop3A_609 : vector<16xf32> to vector<1x1x16xf32>
          tpu.vector_store %arg5[%parallel_loop3A_611, %parallel_loop3A_612, %parallel_loop3A_613], %parallel_loop3A_616 {add = true, strides = array<i32>} : memref<80x2x128xf32, #tpu.memory_space<vmem>>, vector<1x1x16xf32>,
          %parallel_loop3A_617 = arith.constant 1 : i32
          %parallel_loop3A_618 = arith.index_cast %parallel_loop3A_497 : i32 to index
          %parallel_loop3A_619 = arith.index_cast %parallel_loop3A_617 : i32 to index
          %parallel_loop3A_620 = arith.constant 96 : index
          %parallel_loop3A_621 = tpu.vector_load %arg5[%parallel_loop3A_618, %parallel_loop3A_619, %parallel_loop3A_620] {strides = array<i32>} : memref<80x2x128xf32, #tpu.memory_space<vmem>>, vector<1x1x16xf32>,
          %parallel_loop3A_622 = vector.shape_cast %parallel_loop3A_621 : vector<1x1x16xf32> to vector<16xf32>
          %parallel_loop3A_623 = vector.shape_cast %parallel_loop3A_609 : vector<16xf32> to vector<1x1x16xf32>
          tpu.vector_store %arg5[%parallel_loop3A_618, %parallel_loop3A_619, %parallel_loop3A_620], %parallel_loop3A_623 {add = true, strides = array<i32>} : memref<80x2x128xf32, #tpu.memory_space<vmem>>, vector<1x1x16xf32>,
          %parallel_loop3A_624 = arith.index_cast %parallel_loop3A_497 : i32 to index
          %parallel_loop3A_625 = arith.constant 112 : index
          %parallel_loop3A_626 = tpu.vector_load %arg9[%parallel_loop3A_624, %parallel_loop3A_625] {strides = array<i32>} : memref<80x128xf32, #tpu.memory_space<vmem>>, vector<1x16xf32>,
          %parallel_loop3A_627 = vector.shape_cast %parallel_loop3A_626 : vector<1x16xf32> to vector<16xf32>
          %parallel_loop3A_628 = arith.constant 0 : i32
          %parallel_loop3A_629 = arith.index_cast %parallel_loop3A_497 : i32 to index
          %parallel_loop3A_630 = arith.index_cast %parallel_loop3A_628 : i32 to index
          %parallel_loop3A_631 = arith.constant 112 : index
          %parallel_loop3A_632 = tpu.vector_load %arg5[%parallel_loop3A_629, %parallel_loop3A_630, %parallel_loop3A_631] {strides = array<i32>} : memref<80x2x128xf32, #tpu.memory_space<vmem>>, vector<1x1x16xf32>,
          %parallel_loop3A_633 = vector.shape_cast %parallel_loop3A_632 : vector<1x1x16xf32> to vector<16xf32>
          %parallel_loop3A_634 = vector.shape_cast %parallel_loop3A_627 : vector<16xf32> to vector<1x1x16xf32>
          tpu.vector_store %arg5[%parallel_loop3A_629, %parallel_loop3A_630, %parallel_loop3A_631], %parallel_loop3A_634 {add = true, strides = array<i32>} : memref<80x2x128xf32, #tpu.memory_space<vmem>>, vector<1x1x16xf32>,
          %parallel_loop3A_635 = arith.constant 1 : i32
          %parallel_loop3A_636 = arith.index_cast %parallel_loop3A_497 : i32 to index
          %parallel_loop3A_637 = arith.index_cast %parallel_loop3A_635 : i32 to index
          %parallel_loop3A_638 = arith.constant 112 : index
          %parallel_loop3A_639 = tpu.vector_load %arg5[%parallel_loop3A_636, %parallel_loop3A_637, %parallel_loop3A_638] {strides = array<i32>} : memref<80x2x128xf32, #tpu.memory_space<vmem>>, vector<1x1x16xf32>,
          %parallel_loop3A_640 = vector.shape_cast %parallel_loop3A_639 : vector<1x1x16xf32> to vector<16xf32>
          %parallel_loop3A_641 = vector.shape_cast %parallel_loop3A_627 : vector<16xf32> to vector<1x1x16xf32>
          tpu.vector_store %arg5[%parallel_loop3A_636, %parallel_loop3A_637, %parallel_loop3A_638], %parallel_loop3A_641 {add = true, strides = array<i32>} : memref<80x2x128xf32, #tpu.memory_space<vmem>>, vector<1x1x16xf32>,
        } {sc.loop_unroll_factor = 2 : i64, sc.parallel_access}
        %mul3A_481 = arith.constant 32 : i32
        %mul3A_482 = arith.muli %add3A_436, %mul3A_481 : i32
        %add3A_483 = arith.addi %add3A, %mul3A_482 : i32
        %mul3A_484 = arith.constant 80 : i32
        %mul3A_485 = arith.muli %add3A_483, %mul3A_484 : i32
        %dma_start3A = arith.constant 0 : i32
        %dma_start3A_486 = arith.constant 0 : i32
        %dma_start3A_487 = tpu.memref_slice %arg4[%mul3A_485, %dma_start3A, %dma_start3A_486] : memref<100000x2x128xf32, #tpu.memory_space<hbm>> -> memref<80x2x128xf32, #tpu.memory_space<hbm>>
        %dma_start3A_488 = arith.constant 0 : i32
        %dma_start3A_489 = arith.constant 0 : i32
        %dma_start3A_490 = tpu.memref_slice %arg4[%mul3A_485, %dma_start3A_488, %dma_start3A_489] : memref<100000x2x128xf32, #tpu.memory_space<hbm>> -> memref<80x2x128xf32, #tpu.memory_space<hbm>>
        tpu.enqueue_dma source(%arg5 : memref<80x2x128xf32, #tpu.memory_space<vmem>>) target(%dma_start3A_490 : memref<80x2x128xf32, #tpu.memory_space<hbm>>) target_semaphore(%arg17 : memref<!tpu.dma_semaphore, #tpu.memory_space<semaphore_mem>>)
        %add3A_491 = arith.constant 3 : i32
        %add3A_492 = arith.addi %add3A_436, %add3A_491 : i32
        %lt3A_493 = arith.cmpi slt, %add3A_492, %select_n3A : i32
        %convert_element_type3A_494 = arith.extui %lt3A_493 : i1 to i32
        %cond3A_495 = arith.constant 0 : i32
        %cond3A_496 = arith.cmpi ne, %convert_element_type3A_494, %cond3A_495 : i32
        scf.if %cond3A_496 {
          %ge3A_497 = arith.constant 1 : i32
          %ge3A_498 = arith.cmpi sge, %add3A_436, %ge3A_497 : i32
          %convert_element_type3A_499 = arith.extui %ge3A_498 : i1 to i32
          %cond3A_500 = arith.constant 0 : i32
          %cond3A_501 = arith.cmpi ne, %convert_element_type3A_499, %cond3A_500 : i32
          scf.if %cond3A_501 {
            %dma_wait3A_517 = arith.constant 0 : i32
            %dma_wait3A_518 = arith.constant 0 : i32
            %dma_wait3A_519 = arith.constant 0 : i32
            %dma_wait3A_520 = tpu.memref_slice %arg4[%dma_wait3A_517, %dma_wait3A_518, %dma_wait3A_519] : memref<100000x2x128xf32, #tpu.memory_space<hbm>> -> memref<80x2x128xf32, #tpu.memory_space<hbm>>
            %dma_wait3A_521 = arith.constant 0 : i32
            %dma_wait3A_522 = arith.constant 0 : i32
            %dma_wait3A_523 = arith.constant 0 : i32
            %dma_wait3A_524 = tpu.memref_slice %arg4[%dma_wait3A_521, %dma_wait3A_522, %dma_wait3A_523] : memref<100000x2x128xf32, #tpu.memory_space<hbm>> -> memref<80x2x128xf32, #tpu.memory_space<hbm>>
            tpu.wait_dma2 semaphore(%arg20 : memref<!tpu.dma_semaphore, #tpu.memory_space<semaphore_mem>>) src(%arg8 : memref<80x2x128xf32, #tpu.memory_space<vmem>>) dst(%dma_wait3A_524 : memref<80x2x128xf32, #tpu.memory_space<hbm>>)
          } else {
          }
          %mul3A_502 = arith.constant 32 : i32
          %mul3A_503 = arith.muli %add3A_492, %mul3A_502 : i32
          %add3A_504 = arith.addi %add3A, %mul3A_503 : i32
          %mul3A_505 = arith.constant 80 : i32
          %mul3A_506 = arith.muli %add3A_504, %mul3A_505 : i32
          %dma_start3A_507 = arith.constant 0 : i32
          %dma_start3A_508 = arith.constant 0 : i32
          %dma_start3A_509 = tpu.memref_slice %arg2[%mul3A_506, %dma_start3A_507, %dma_start3A_508] : memref<100000x2x128xf32, #tpu.memory_space<hbm>> -> memref<80x2x128xf32, #tpu.memory_space<hbm>>
          %dma_start3A_510 = arith.constant 0 : i32
          %dma_start3A_511 = arith.constant 0 : i32
          %dma_start3A_512 = tpu.memref_slice %arg2[%mul3A_506, %dma_start3A_510, %dma_start3A_511] : memref<100000x2x128xf32, #tpu.memory_space<hbm>> -> memref<80x2x128xf32, #tpu.memory_space<hbm>>
          tpu.enqueue_dma source(%dma_start3A_512 : memref<80x2x128xf32, #tpu.memory_space<hbm>>) target(%arg8 : memref<80x2x128xf32, #tpu.memory_space<vmem>>) target_semaphore(%arg16 : memref<!tpu.dma_semaphore, #tpu.memory_space<semaphore_mem>>)
          %dma_start3A_513 = arith.constant 0 : i32
          %dma_start3A_514 = tpu.memref_slice %arg3[%mul3A_506, %dma_start3A_513] : memref<100000x128xf32, #tpu.memory_space<hbm>> -> memref<80x128xf32, #tpu.memory_space<hbm>>
          %dma_start3A_515 = arith.constant 0 : i32
          %dma_start3A_516 = tpu.memref_slice %arg3[%mul3A_506, %dma_start3A_515] : memref<100000x128xf32, #tpu.memory_space<hbm>> -> memref<80x128xf32, #tpu.memory_space<hbm>>
          tpu.enqueue_dma source(%dma_start3A_516 : memref<80x128xf32, #tpu.memory_space<hbm>>) target(%arg12 : memref<80x128xf32, #tpu.memory_space<vmem>>) target_semaphore(%arg16 : memref<!tpu.dma_semaphore, #tpu.memory_space<semaphore_mem>>)
        } else {
        }
      } else {
      }
      %mul3A_441 = arith.constant 4 : i32
      %mul3A_442 = arith.muli %scan3A_431, %mul3A_441 : i32
      %add3A_443 = arith.constant 1 : i32
      %add3A_444 = arith.addi %mul3A_442, %add3A_443 : i32
      %lt3A_445 = arith.cmpi slt, %add3A_444, %select_n3A : i32
      %convert_element_type3A_446 = arith.extui %lt3A_445 : i1 to i32
      %cond3A_447 = arith.constant 0 : i32
      %cond3A_448 = arith.cmpi ne, %convert_element_type3A_446, %cond3A_447 : i32
      scf.if %cond3A_448 {
        %dma_wait3A = arith.constant 0 : i32
        %dma_wait3A_466 = arith.constant 0 : i32
        %dma_wait3A_467 = arith.constant 0 : i32
        %dma_wait3A_468 = tpu.memref_slice %arg2[%dma_wait3A, %dma_wait3A_466, %dma_wait3A_467] : memref<100000x2x128xf32, #tpu.memory_space<hbm>> -> memref<80x2x128xf32, #tpu.memory_space<hbm>>
        %dma_wait3A_469 = arith.constant 0 : i32
        %dma_wait3A_470 = arith.constant 0 : i32
        %dma_wait3A_471 = arith.constant 0 : i32
        %dma_wait3A_472 = tpu.memref_slice %arg2[%dma_wait3A_469, %dma_wait3A_470, %dma_wait3A_471] : memref<100000x2x128xf32, #tpu.memory_space<hbm>> -> memref<80x2x128xf32, #tpu.memory_space<hbm>>
        tpu.wait_dma2 semaphore(%arg14 : memref<!tpu.dma_semaphore, #tpu.memory_space<semaphore_mem>>) src(%dma_wait3A_472 : memref<80x2x128xf32, #tpu.memory_space<hbm>>) dst(%arg6 : memref<80x2x128xf32, #tpu.memory_space<vmem>>)
        %dma_wait3A_473 = arith.constant 0 : i32
        %dma_wait3A_474 = arith.constant 0 : i32
        %dma_wait3A_475 = tpu.memref_slice %arg3[%dma_wait3A_473, %dma_wait3A_474] : memref<100000x128xf32, #tpu.memory_space<hbm>> -> memref<80x128xf32, #tpu.memory_space<hbm>>
        %dma_wait3A_476 = arith.constant 0 : i32
        %dma_wait3A_477 = arith.constant 0 : i32
        %dma_wait3A_478 = tpu.memref_slice %arg3[%dma_wait3A_476, %dma_wait3A_477] : memref<100000x128xf32, #tpu.memory_space<hbm>> -> memref<80x128xf32, #tpu.memory_space<hbm>>
        tpu.wait_dma2 semaphore(%arg14 : memref<!tpu.dma_semaphore, #tpu.memory_space<semaphore_mem>>) src(%dma_wait3A_478 : memref<80x128xf32, #tpu.memory_space<hbm>>) dst(%arg10 : memref<80x128xf32, #tpu.memory_space<vmem>>)
        %parallel_loop3A = arith.constant 0 : i32
        %parallel_loop3A_479 = arith.constant 80 : i32
        %parallel_loop3A_480 = arith.constant 1 : i32
        scf.for %parallel_loop3A_497 = %parallel_loop3A to %parallel_loop3A_479 step %parallel_loop3A_480  : i32 {
          %parallel_loop3A_498 = arith.index_cast %parallel_loop3A_497 : i32 to index
          %parallel_loop3A_499 = arith.constant 0 : index
          %parallel_loop3A_500 = tpu.vector_load %arg10[%parallel_loop3A_498, %parallel_loop3A_499] {strides = array<i32>} : memref<80x128xf32, #tpu.memory_space<vmem>>, vector<1x16xf32>,
          %parallel_loop3A_501 = vector.shape_cast %parallel_loop3A_500 : vector<1x16xf32> to vector<16xf32>
          %parallel_loop3A_502 = arith.constant 0 : i32
          %parallel_loop3A_503 = arith.index_cast %parallel_loop3A_497 : i32 to index
          %parallel_loop3A_504 = arith.index_cast %parallel_loop3A_502 : i32 to index
          %parallel_loop3A_505 = arith.constant 0 : index
          %parallel_loop3A_506 = tpu.vector_load %arg6[%parallel_loop3A_503, %parallel_loop3A_504, %parallel_loop3A_505] {strides = array<i32>} : memref<80x2x128xf32, #tpu.memory_space<vmem>>, vector<1x1x16xf32>,
          %parallel_loop3A_507 = vector.shape_cast %parallel_loop3A_506 : vector<1x1x16xf32> to vector<16xf32>
          %parallel_loop3A_508 = vector.shape_cast %parallel_loop3A_501 : vector<16xf32> to vector<1x1x16xf32>
          tpu.vector_store %arg6[%parallel_loop3A_503, %parallel_loop3A_504, %parallel_loop3A_505], %parallel_loop3A_508 {add = true, strides = array<i32>} : memref<80x2x128xf32, #tpu.memory_space<vmem>>, vector<1x1x16xf32>,
          %parallel_loop3A_509 = arith.constant 1 : i32
          %parallel_loop3A_510 = arith.index_cast %parallel_loop3A_497 : i32 to index
          %parallel_loop3A_511 = arith.index_cast %parallel_loop3A_509 : i32 to index
          %parallel_loop3A_512 = arith.constant 0 : index
          %parallel_loop3A_513 = tpu.vector_load %arg6[%parallel_loop3A_510, %parallel_loop3A_511, %parallel_loop3A_512] {strides = array<i32>} : memref<80x2x128xf32, #tpu.memory_space<vmem>>, vector<1x1x16xf32>,
          %parallel_loop3A_514 = vector.shape_cast %parallel_loop3A_513 : vector<1x1x16xf32> to vector<16xf32>
          %parallel_loop3A_515 = vector.shape_cast %parallel_loop3A_501 : vector<16xf32> to vector<1x1x16xf32>
          tpu.vector_store %arg6[%parallel_loop3A_510, %parallel_loop3A_511, %parallel_loop3A_512], %parallel_loop3A_515 {add = true, strides = array<i32>} : memref<80x2x128xf32, #tpu.memory_space<vmem>>, vector<1x1x16xf32>,
          %parallel_loop3A_516 = arith.index_cast %parallel_loop3A_497 : i32 to index
          %parallel_loop3A_517 = arith.constant 16 : index
          %parallel_loop3A_518 = tpu.vector_load %arg10[%parallel_loop3A_516, %parallel_loop3A_517] {strides = array<i32>} : memref<80x128xf32, #tpu.memory_space<vmem>>, vector<1x16xf32>,
          %parallel_loop3A_519 = vector.shape_cast %parallel_loop3A_518 : vector<1x16xf32> to vector<16xf32>
          %parallel_loop3A_520 = arith.constant 0 : i32
          %parallel_loop3A_521 = arith.index_cast %parallel_loop3A_497 : i32 to index
          %parallel_loop3A_522 = arith.index_cast %parallel_loop3A_520 : i32 to index
          %parallel_loop3A_523 = arith.constant 16 : index
          %parallel_loop3A_524 = tpu.vector_load %arg6[%parallel_loop3A_521, %parallel_loop3A_522, %parallel_loop3A_523] {strides = array<i32>} : memref<80x2x128xf32, #tpu.memory_space<vmem>>, vector<1x1x16xf32>,
          %parallel_loop3A_525 = vector.shape_cast %parallel_loop3A_524 : vector<1x1x16xf32> to vector<16xf32>
          %parallel_loop3A_526 = vector.shape_cast %parallel_loop3A_519 : vector<16xf32> to vector<1x1x16xf32>
          tpu.vector_store %arg6[%parallel_loop3A_521, %parallel_loop3A_522, %parallel_loop3A_523], %parallel_loop3A_526 {add = true, strides = array<i32>} : memref<80x2x128xf32, #tpu.memory_space<vmem>>, vector<1x1x16xf32>,
          %parallel_loop3A_527 = arith.constant 1 : i32
          %parallel_loop3A_528 = arith.index_cast %parallel_loop3A_497 : i32 to index
          %parallel_loop3A_529 = arith.index_cast %parallel_loop3A_527 : i32 to index
          %parallel_loop3A_530 = arith.constant 16 : index
          %parallel_loop3A_531 = tpu.vector_load %arg6[%parallel_loop3A_528, %parallel_loop3A_529, %parallel_loop3A_530] {strides = array<i32>} : memref<80x2x128xf32, #tpu.memory_space<vmem>>, vector<1x1x16xf32>,
          %parallel_loop3A_532 = vector.shape_cast %parallel_loop3A_531 : vector<1x1x16xf32> to vector<16xf32>
          %parallel_loop3A_533 = vector.shape_cast %parallel_loop3A_519 : vector<16xf32> to vector<1x1x16xf32>
          tpu.vector_store %arg6[%parallel_loop3A_528, %parallel_loop3A_529, %parallel_loop3A_530], %parallel_loop3A_533 {add = true, strides = array<i32>} : memref<80x2x128xf32, #tpu.memory_space<vmem>>, vector<1x1x16xf32>,
          %parallel_loop3A_534 = arith.index_cast %parallel_loop3A_497 : i32 to index
          %parallel_loop3A_535 = arith.constant 32 : index
          %parallel_loop3A_536 = tpu.vector_load %arg10[%parallel_loop3A_534, %parallel_loop3A_535] {strides = array<i32>} : memref<80x128xf32, #tpu.memory_space<vmem>>, vector<1x16xf32>,
          %parallel_loop3A_537 = vector.shape_cast %parallel_loop3A_536 : vector<1x16xf32> to vector<16xf32>
          %parallel_loop3A_538 = arith.constant 0 : i32
          %parallel_loop3A_539 = arith.index_cast %parallel_loop3A_497 : i32 to index
          %parallel_loop3A_540 = arith.index_cast %parallel_loop3A_538 : i32 to index
          %parallel_loop3A_541 = arith.constant 32 : index
          %parallel_loop3A_542 = tpu.vector_load %arg6[%parallel_loop3A_539, %parallel_loop3A_540, %parallel_loop3A_541] {strides = array<i32>} : memref<80x2x128xf32, #tpu.memory_space<vmem>>, vector<1x1x16xf32>,
          %parallel_loop3A_543 = vector.shape_cast %parallel_loop3A_542 : vector<1x1x16xf32> to vector<16xf32>
          %parallel_loop3A_544 = vector.shape_cast %parallel_loop3A_537 : vector<16xf32> to vector<1x1x16xf32>
          tpu.vector_store %arg6[%parallel_loop3A_539, %parallel_loop3A_540, %parallel_loop3A_541], %parallel_loop3A_544 {add = true, strides = array<i32>} : memref<80x2x128xf32, #tpu.memory_space<vmem>>, vector<1x1x16xf32>,
          %parallel_loop3A_545 = arith.constant 1 : i32
          %parallel_loop3A_546 = arith.index_cast %parallel_loop3A_497 : i32 to index
          %parallel_loop3A_547 = arith.index_cast %parallel_loop3A_545 : i32 to index
          %parallel_loop3A_548 = arith.constant 32 : index
          %parallel_loop3A_549 = tpu.vector_load %arg6[%parallel_loop3A_546, %parallel_loop3A_547, %parallel_loop3A_548] {strides = array<i32>} : memref<80x2x128xf32, #tpu.memory_space<vmem>>, vector<1x1x16xf32>,
          %parallel_loop3A_550 = vector.shape_cast %parallel_loop3A_549 : vector<1x1x16xf32> to vector<16xf32>
          %parallel_loop3A_551 = vector.shape_cast %parallel_loop3A_537 : vector<16xf32> to vector<1x1x16xf32>
          tpu.vector_store %arg6[%parallel_loop3A_546, %parallel_loop3A_547, %parallel_loop3A_548], %parallel_loop3A_551 {add = true, strides = array<i32>} : memref<80x2x128xf32, #tpu.memory_space<vmem>>, vector<1x1x16xf32>,
          %parallel_loop3A_552 = arith.index_cast %parallel_loop3A_497 : i32 to index
          %parallel_loop3A_553 = arith.constant 48 : index
          %parallel_loop3A_554 = tpu.vector_load %arg10[%parallel_loop3A_552, %parallel_loop3A_553] {strides = array<i32>} : memref<80x128xf32, #tpu.memory_space<vmem>>, vector<1x16xf32>,
          %parallel_loop3A_555 = vector.shape_cast %parallel_loop3A_554 : vector<1x16xf32> to vector<16xf32>
          %parallel_loop3A_556 = arith.constant 0 : i32
          %parallel_loop3A_557 = arith.index_cast %parallel_loop3A_497 : i32 to index
          %parallel_loop3A_558 = arith.index_cast %parallel_loop3A_556 : i32 to index
          %parallel_loop3A_559 = arith.constant 48 : index
          %parallel_loop3A_560 = tpu.vector_load %arg6[%parallel_loop3A_557, %parallel_loop3A_558, %parallel_loop3A_559] {strides = array<i32>} : memref<80x2x128xf32, #tpu.memory_space<vmem>>, vector<1x1x16xf32>,
          %parallel_loop3A_561 = vector.shape_cast %parallel_loop3A_560 : vector<1x1x16xf32> to vector<16xf32>
          %parallel_loop3A_562 = vector.shape_cast %parallel_loop3A_555 : vector<16xf32> to vector<1x1x16xf32>
          tpu.vector_store %arg6[%parallel_loop3A_557, %parallel_loop3A_558, %parallel_loop3A_559], %parallel_loop3A_562 {add = true, strides = array<i32>} : memref<80x2x128xf32, #tpu.memory_space<vmem>>, vector<1x1x16xf32>,
          %parallel_loop3A_563 = arith.constant 1 : i32
          %parallel_loop3A_564 = arith.index_cast %parallel_loop3A_497 : i32 to index
          %parallel_loop3A_565 = arith.index_cast %parallel_loop3A_563 : i32 to index
          %parallel_loop3A_566 = arith.constant 48 : index
          %parallel_loop3A_567 = tpu.vector_load %arg6[%parallel_loop3A_564, %parallel_loop3A_565, %parallel_loop3A_566] {strides = array<i32>} : memref<80x2x128xf32, #tpu.memory_space<vmem>>, vector<1x1x16xf32>,
          %parallel_loop3A_568 = vector.shape_cast %parallel_loop3A_567 : vector<1x1x16xf32> to vector<16xf32>
          %parallel_loop3A_569 = vector.shape_cast %parallel_loop3A_555 : vector<16xf32> to vector<1x1x16xf32>
          tpu.vector_store %arg6[%parallel_loop3A_564, %parallel_loop3A_565, %parallel_loop3A_566], %parallel_loop3A_569 {add = true, strides = array<i32>} : memref<80x2x128xf32, #tpu.memory_space<vmem>>, vector<1x1x16xf32>,
          %parallel_loop3A_570 = arith.index_cast %parallel_loop3A_497 : i32 to index
          %parallel_loop3A_571 = arith.constant 64 : index
          %parallel_loop3A_572 = tpu.vector_load %arg10[%parallel_loop3A_570, %parallel_loop3A_571] {strides = array<i32>} : memref<80x128xf32, #tpu.memory_space<vmem>>, vector<1x16xf32>,
          %parallel_loop3A_573 = vector.shape_cast %parallel_loop3A_572 : vector<1x16xf32> to vector<16xf32>
          %parallel_loop3A_574 = arith.constant 0 : i32
          %parallel_loop3A_575 = arith.index_cast %parallel_loop3A_497 : i32 to index
          %parallel_loop3A_576 = arith.index_cast %parallel_loop3A_574 : i32 to index
          %parallel_loop3A_577 = arith.constant 64 : index
          %parallel_loop3A_578 = tpu.vector_load %arg6[%parallel_loop3A_575, %parallel_loop3A_576, %parallel_loop3A_577] {strides = array<i32>} : memref<80x2x128xf32, #tpu.memory_space<vmem>>, vector<1x1x16xf32>,
          %parallel_loop3A_579 = vector.shape_cast %parallel_loop3A_578 : vector<1x1x16xf32> to vector<16xf32>
          %parallel_loop3A_580 = vector.shape_cast %parallel_loop3A_573 : vector<16xf32> to vector<1x1x16xf32>
          tpu.vector_store %arg6[%parallel_loop3A_575, %parallel_loop3A_576, %parallel_loop3A_577], %parallel_loop3A_580 {add = true, strides = array<i32>} : memref<80x2x128xf32, #tpu.memory_space<vmem>>, vector<1x1x16xf32>,
          %parallel_loop3A_581 = arith.constant 1 : i32
          %parallel_loop3A_582 = arith.index_cast %parallel_loop3A_497 : i32 to index
          %parallel_loop3A_583 = arith.index_cast %parallel_loop3A_581 : i32 to index
          %parallel_loop3A_584 = arith.constant 64 : index
          %parallel_loop3A_585 = tpu.vector_load %arg6[%parallel_loop3A_582, %parallel_loop3A_583, %parallel_loop3A_584] {strides = array<i32>} : memref<80x2x128xf32, #tpu.memory_space<vmem>>, vector<1x1x16xf32>,
          %parallel_loop3A_586 = vector.shape_cast %parallel_loop3A_585 : vector<1x1x16xf32> to vector<16xf32>
          %parallel_loop3A_587 = vector.shape_cast %parallel_loop3A_573 : vector<16xf32> to vector<1x1x16xf32>
          tpu.vector_store %arg6[%parallel_loop3A_582, %parallel_loop3A_583, %parallel_loop3A_584], %parallel_loop3A_587 {add = true, strides = array<i32>} : memref<80x2x128xf32, #tpu.memory_space<vmem>>, vector<1x1x16xf32>,
          %parallel_loop3A_588 = arith.index_cast %parallel_loop3A_497 : i32 to index
          %parallel_loop3A_589 = arith.constant 80 : index
          %parallel_loop3A_590 = tpu.vector_load %arg10[%parallel_loop3A_588, %parallel_loop3A_589] {strides = array<i32>} : memref<80x128xf32, #tpu.memory_space<vmem>>, vector<1x16xf32>,
          %parallel_loop3A_591 = vector.shape_cast %parallel_loop3A_590 : vector<1x16xf32> to vector<16xf32>
          %parallel_loop3A_592 = arith.constant 0 : i32
          %parallel_loop3A_593 = arith.index_cast %parallel_loop3A_497 : i32 to index
          %parallel_loop3A_594 = arith.index_cast %parallel_loop3A_592 : i32 to index
          %parallel_loop3A_595 = arith.constant 80 : index
          %parallel_loop3A_596 = tpu.vector_load %arg6[%parallel_loop3A_593, %parallel_loop3A_594, %parallel_loop3A_595] {strides = array<i32>} : memref<80x2x128xf32, #tpu.memory_space<vmem>>, vector<1x1x16xf32>,
          %parallel_loop3A_597 = vector.shape_cast %parallel_loop3A_596 : vector<1x1x16xf32> to vector<16xf32>
          %parallel_loop3A_598 = vector.shape_cast %parallel_loop3A_591 : vector<16xf32> to vector<1x1x16xf32>
          tpu.vector_store %arg6[%parallel_loop3A_593, %parallel_loop3A_594, %parallel_loop3A_595], %parallel_loop3A_598 {add = true, strides = array<i32>} : memref<80x2x128xf32, #tpu.memory_space<vmem>>, vector<1x1x16xf32>,
          %parallel_loop3A_599 = arith.constant 1 : i32
          %parallel_loop3A_600 = arith.index_cast %parallel_loop3A_497 : i32 to index
          %parallel_loop3A_601 = arith.index_cast %parallel_loop3A_599 : i32 to index
          %parallel_loop3A_602 = arith.constant 80 : index
          %parallel_loop3A_603 = tpu.vector_load %arg6[%parallel_loop3A_600, %parallel_loop3A_601, %parallel_loop3A_602] {strides = array<i32>} : memref<80x2x128xf32, #tpu.memory_space<vmem>>, vector<1x1x16xf32>,
          %parallel_loop3A_604 = vector.shape_cast %parallel_loop3A_603 : vector<1x1x16xf32> to vector<16xf32>
          %parallel_loop3A_605 = vector.shape_cast %parallel_loop3A_591 : vector<16xf32> to vector<1x1x16xf32>
          tpu.vector_store %arg6[%parallel_loop3A_600, %parallel_loop3A_601, %parallel_loop3A_602], %parallel_loop3A_605 {add = true, strides = array<i32>} : memref<80x2x128xf32, #tpu.memory_space<vmem>>, vector<1x1x16xf32>,
          %parallel_loop3A_606 = arith.index_cast %parallel_loop3A_497 : i32 to index
          %parallel_loop3A_607 = arith.constant 96 : index
          %parallel_loop3A_608 = tpu.vector_load %arg10[%parallel_loop3A_606, %parallel_loop3A_607] {strides = array<i32>} : memref<80x128xf32, #tpu.memory_space<vmem>>, vector<1x16xf32>,
          %parallel_loop3A_609 = vector.shape_cast %parallel_loop3A_608 : vector<1x16xf32> to vector<16xf32>
          %parallel_loop3A_610 = arith.constant 0 : i32
          %parallel_loop3A_611 = arith.index_cast %parallel_loop3A_497 : i32 to index
          %parallel_loop3A_612 = arith.index_cast %parallel_loop3A_610 : i32 to index
          %parallel_loop3A_613 = arith.constant 96 : index
          %parallel_loop3A_614 = tpu.vector_load %arg6[%parallel_loop3A_611, %parallel_loop3A_612, %parallel_loop3A_613] {strides = array<i32>} : memref<80x2x128xf32, #tpu.memory_space<vmem>>, vector<1x1x16xf32>,
          %parallel_loop3A_615 = vector.shape_cast %parallel_loop3A_614 : vector<1x1x16xf32> to vector<16xf32>
          %parallel_loop3A_616 = vector.shape_cast %parallel_loop3A_609 : vector<16xf32> to vector<1x1x16xf32>
          tpu.vector_store %arg6[%parallel_loop3A_611, %parallel_loop3A_612, %parallel_loop3A_613], %parallel_loop3A_616 {add = true, strides = array<i32>} : memref<80x2x128xf32, #tpu.memory_space<vmem>>, vector<1x1x16xf32>,
          %parallel_loop3A_617 = arith.constant 1 : i32
          %parallel_loop3A_618 = arith.index_cast %parallel_loop3A_497 : i32 to index
          %parallel_loop3A_619 = arith.index_cast %parallel_loop3A_617 : i32 to index
          %parallel_loop3A_620 = arith.constant 96 : index
          %parallel_loop3A_621 = tpu.vector_load %arg6[%parallel_loop3A_618, %parallel_loop3A_619, %parallel_loop3A_620] {strides = array<i32>} : memref<80x2x128xf32, #tpu.memory_space<vmem>>, vector<1x1x16xf32>,
          %parallel_loop3A_622 = vector.shape_cast %parallel_loop3A_621 : vector<1x1x16xf32> to vector<16xf32>
          %parallel_loop3A_623 = vector.shape_cast %parallel_loop3A_609 : vector<16xf32> to vector<1x1x16xf32>
          tpu.vector_store %arg6[%parallel_loop3A_618, %parallel_loop3A_619, %parallel_loop3A_620], %parallel_loop3A_623 {add = true, strides = array<i32>} : memref<80x2x128xf32, #tpu.memory_space<vmem>>, vector<1x1x16xf32>,
          %parallel_loop3A_624 = arith.index_cast %parallel_loop3A_497 : i32 to index
          %parallel_loop3A_625 = arith.constant 112 : index
          %parallel_loop3A_626 = tpu.vector_load %arg10[%parallel_loop3A_624, %parallel_loop3A_625] {strides = array<i32>} : memref<80x128xf32, #tpu.memory_space<vmem>>, vector<1x16xf32>,
          %parallel_loop3A_627 = vector.shape_cast %parallel_loop3A_626 : vector<1x16xf32> to vector<16xf32>
          %parallel_loop3A_628 = arith.constant 0 : i32
          %parallel_loop3A_629 = arith.index_cast %parallel_loop3A_497 : i32 to index
          %parallel_loop3A_630 = arith.index_cast %parallel_loop3A_628 : i32 to index
          %parallel_loop3A_631 = arith.constant 112 : index
          %parallel_loop3A_632 = tpu.vector_load %arg6[%parallel_loop3A_629, %parallel_loop3A_630, %parallel_loop3A_631] {strides = array<i32>} : memref<80x2x128xf32, #tpu.memory_space<vmem>>, vector<1x1x16xf32>,
          %parallel_loop3A_633 = vector.shape_cast %parallel_loop3A_632 : vector<1x1x16xf32> to vector<16xf32>
          %parallel_loop3A_634 = vector.shape_cast %parallel_loop3A_627 : vector<16xf32> to vector<1x1x16xf32>
          tpu.vector_store %arg6[%parallel_loop3A_629, %parallel_loop3A_630, %parallel_loop3A_631], %parallel_loop3A_634 {add = true, strides = array<i32>} : memref<80x2x128xf32, #tpu.memory_space<vmem>>, vector<1x1x16xf32>,
          %parallel_loop3A_635 = arith.constant 1 : i32
          %parallel_loop3A_636 = arith.index_cast %parallel_loop3A_497 : i32 to index
          %parallel_loop3A_637 = arith.index_cast %parallel_loop3A_635 : i32 to index
          %parallel_loop3A_638 = arith.constant 112 : index
          %parallel_loop3A_639 = tpu.vector_load %arg6[%parallel_loop3A_636, %parallel_loop3A_637, %parallel_loop3A_638] {strides = array<i32>} : memref<80x2x128xf32, #tpu.memory_space<vmem>>, vector<1x1x16xf32>,
          %parallel_loop3A_640 = vector.shape_cast %parallel_loop3A_639 : vector<1x1x16xf32> to vector<16xf32>
          %parallel_loop3A_641 = vector.shape_cast %parallel_loop3A_627 : vector<16xf32> to vector<1x1x16xf32>
          tpu.vector_store %arg6[%parallel_loop3A_636, %parallel_loop3A_637, %parallel_loop3A_638], %parallel_loop3A_641 {add = true, strides = array<i32>} : memref<80x2x128xf32, #tpu.memory_space<vmem>>, vector<1x1x16xf32>,
        } {sc.loop_unroll_factor = 2 : i64, sc.parallel_access}
        %mul3A_481 = arith.constant 32 : i32
        %mul3A_482 = arith.muli %add3A_444, %mul3A_481 : i32
        %add3A_483 = arith.addi %add3A, %mul3A_482 : i32
        %mul3A_484 = arith.constant 80 : i32
        %mul3A_485 = arith.muli %add3A_483, %mul3A_484 : i32
        %dma_start3A = arith.constant 0 : i32
        %dma_start3A_486 = arith.constant 0 : i32
        %dma_start3A_487 = tpu.memref_slice %arg4[%mul3A_485, %dma_start3A, %dma_start3A_486] : memref<100000x2x128xf32, #tpu.memory_space<hbm>> -> memref<80x2x128xf32, #tpu.memory_space<hbm>>
        %dma_start3A_488 = arith.constant 0 : i32
        %dma_start3A_489 = arith.constant 0 : i32
        %dma_start3A_490 = tpu.memref_slice %arg4[%mul3A_485, %dma_start3A_488, %dma_start3A_489] : memref<100000x2x128xf32, #tpu.memory_space<hbm>> -> memref<80x2x128xf32, #tpu.memory_space<hbm>>
        tpu.enqueue_dma source(%arg6 : memref<80x2x128xf32, #tpu.memory_space<vmem>>) target(%dma_start3A_490 : memref<80x2x128xf32, #tpu.memory_space<hbm>>) target_semaphore(%arg18 : memref<!tpu.dma_semaphore, #tpu.memory_space<semaphore_mem>>)
        %add3A_491 = arith.constant 3 : i32
        %add3A_492 = arith.addi %add3A_444, %add3A_491 : i32
        %lt3A_493 = arith.cmpi slt, %add3A_492, %select_n3A : i32
        %convert_element_type3A_494 = arith.extui %lt3A_493 : i1 to i32
        %cond3A_495 = arith.constant 0 : i32
        %cond3A_496 = arith.cmpi ne, %convert_element_type3A_494, %cond3A_495 : i32
        scf.if %cond3A_496 {
          %ge3A_497 = arith.constant 1 : i32
          %ge3A_498 = arith.cmpi sge, %add3A_444, %ge3A_497 : i32
          %convert_element_type3A_499 = arith.extui %ge3A_498 : i1 to i32
          %cond3A_500 = arith.constant 0 : i32
          %cond3A_501 = arith.cmpi ne, %convert_element_type3A_499, %cond3A_500 : i32
          scf.if %cond3A_501 {
            %dma_wait3A_517 = arith.constant 0 : i32
            %dma_wait3A_518 = arith.constant 0 : i32
            %dma_wait3A_519 = arith.constant 0 : i32
            %dma_wait3A_520 = tpu.memref_slice %arg4[%dma_wait3A_517, %dma_wait3A_518, %dma_wait3A_519] : memref<100000x2x128xf32, #tpu.memory_space<hbm>> -> memref<80x2x128xf32, #tpu.memory_space<hbm>>
            %dma_wait3A_521 = arith.constant 0 : i32
            %dma_wait3A_522 = arith.constant 0 : i32
            %dma_wait3A_523 = arith.constant 0 : i32
            %dma_wait3A_524 = tpu.memref_slice %arg4[%dma_wait3A_521, %dma_wait3A_522, %dma_wait3A_523] : memref<100000x2x128xf32, #tpu.memory_space<hbm>> -> memref<80x2x128xf32, #tpu.memory_space<hbm>>
            tpu.wait_dma2 semaphore(%arg17 : memref<!tpu.dma_semaphore, #tpu.memory_space<semaphore_mem>>) src(%arg5 : memref<80x2x128xf32, #tpu.memory_space<vmem>>) dst(%dma_wait3A_524 : memref<80x2x128xf32, #tpu.memory_space<hbm>>)
          } else {
          }
          %mul3A_502 = arith.constant 32 : i32
          %mul3A_503 = arith.muli %add3A_492, %mul3A_502 : i32
          %add3A_504 = arith.addi %add3A, %mul3A_503 : i32
          %mul3A_505 = arith.constant 80 : i32
          %mul3A_506 = arith.muli %add3A_504, %mul3A_505 : i32
          %dma_start3A_507 = arith.constant 0 : i32
          %dma_start3A_508 = arith.constant 0 : i32
          %dma_start3A_509 = tpu.memref_slice %arg2[%mul3A_506, %dma_start3A_507, %dma_start3A_508] : memref<100000x2x128xf32, #tpu.memory_space<hbm>> -> memref<80x2x128xf32, #tpu.memory_space<hbm>>
          %dma_start3A_510 = arith.constant 0 : i32
          %dma_start3A_511 = arith.constant 0 : i32
          %dma_start3A_512 = tpu.memref_slice %arg2[%mul3A_506, %dma_start3A_510, %dma_start3A_511] : memref<100000x2x128xf32, #tpu.memory_space<hbm>> -> memref<80x2x128xf32, #tpu.memory_space<hbm>>
          tpu.enqueue_dma source(%dma_start3A_512 : memref<80x2x128xf32, #tpu.memory_space<hbm>>) target(%arg5 : memref<80x2x128xf32, #tpu.memory_space<vmem>>) target_semaphore(%arg13 : memref<!tpu.dma_semaphore, #tpu.memory_space<semaphore_mem>>)
          %dma_start3A_513 = arith.constant 0 : i32
          %dma_start3A_514 = tpu.memref_slice %arg3[%mul3A_506, %dma_start3A_513] : memref<100000x128xf32, #tpu.memory_space<hbm>> -> memref<80x128xf32, #tpu.memory_space<hbm>>
          %dma_start3A_515 = arith.constant 0 : i32
          %dma_start3A_516 = tpu.memref_slice %arg3[%mul3A_506, %dma_start3A_515] : memref<100000x128xf32, #tpu.memory_space<hbm>> -> memref<80x128xf32, #tpu.memory_space<hbm>>
          tpu.enqueue_dma source(%dma_start3A_516 : memref<80x128xf32, #tpu.memory_space<hbm>>) target(%arg9 : memref<80x128xf32, #tpu.memory_space<vmem>>) target_semaphore(%arg13 : memref<!tpu.dma_semaphore, #tpu.memory_space<semaphore_mem>>)
        } else {
        }
      } else {
      }
      %mul3A_449 = arith.constant 4 : i32
      %mul3A_450 = arith.muli %scan3A_431, %mul3A_449 : i32
      %add3A_451 = arith.constant 2 : i32
      %add3A_452 = arith.addi %mul3A_450, %add3A_451 : i32
      %lt3A_453 = arith.cmpi slt, %add3A_452, %select_n3A : i32
      %convert_element_type3A_454 = arith.extui %lt3A_453 : i1 to i32
      %cond3A_455 = arith.constant 0 : i32
      %cond3A_456 = arith.cmpi ne, %convert_element_type3A_454, %cond3A_455 : i32
      scf.if %cond3A_456 {
        %dma_wait3A = arith.constant 0 : i32
        %dma_wait3A_466 = arith.constant 0 : i32
        %dma_wait3A_467 = arith.constant 0 : i32
        %dma_wait3A_468 = tpu.memref_slice %arg2[%dma_wait3A, %dma_wait3A_466, %dma_wait3A_467] : memref<100000x2x128xf32, #tpu.memory_space<hbm>> -> memref<80x2x128xf32, #tpu.memory_space<hbm>>
        %dma_wait3A_469 = arith.constant 0 : i32
        %dma_wait3A_470 = arith.constant 0 : i32
        %dma_wait3A_471 = arith.constant 0 : i32
        %dma_wait3A_472 = tpu.memref_slice %arg2[%dma_wait3A_469, %dma_wait3A_470, %dma_wait3A_471] : memref<100000x2x128xf32, #tpu.memory_space<hbm>> -> memref<80x2x128xf32, #tpu.memory_space<hbm>>
        tpu.wait_dma2 semaphore(%arg15 : memref<!tpu.dma_semaphore, #tpu.memory_space<semaphore_mem>>) src(%dma_wait3A_472 : memref<80x2x128xf32, #tpu.memory_space<hbm>>) dst(%arg7 : memref<80x2x128xf32, #tpu.memory_space<vmem>>)
        %dma_wait3A_473 = arith.constant 0 : i32
        %dma_wait3A_474 = arith.constant 0 : i32
        %dma_wait3A_475 = tpu.memref_slice %arg3[%dma_wait3A_473, %dma_wait3A_474] : memref<100000x128xf32, #tpu.memory_space<hbm>> -> memref<80x128xf32, #tpu.memory_space<hbm>>
        %dma_wait3A_476 = arith.constant 0 : i32
        %dma_wait3A_477 = arith.constant 0 : i32
        %dma_wait3A_478 = tpu.memref_slice %arg3[%dma_wait3A_476, %dma_wait3A_477] : memref<100000x128xf32, #tpu.memory_space<hbm>> -> memref<80x128xf32, #tpu.memory_space<hbm>>
        tpu.wait_dma2 semaphore(%arg15 : memref<!tpu.dma_semaphore, #tpu.memory_space<semaphore_mem>>) src(%dma_wait3A_478 : memref<80x128xf32, #tpu.memory_space<hbm>>) dst(%arg11 : memref<80x128xf32, #tpu.memory_space<vmem>>)
        %parallel_loop3A = arith.constant 0 : i32
        %parallel_loop3A_479 = arith.constant 80 : i32
        %parallel_loop3A_480 = arith.constant 1 : i32
        scf.for %parallel_loop3A_497 = %parallel_loop3A to %parallel_loop3A_479 step %parallel_loop3A_480  : i32 {
          %parallel_loop3A_498 = arith.index_cast %parallel_loop3A_497 : i32 to index
          %parallel_loop3A_499 = arith.constant 0 : index
          %parallel_loop3A_500 = tpu.vector_load %arg11[%parallel_loop3A_498, %parallel_loop3A_499] {strides = array<i32>} : memref<80x128xf32, #tpu.memory_space<vmem>>, vector<1x16xf32>,
          %parallel_loop3A_501 = vector.shape_cast %parallel_loop3A_500 : vector<1x16xf32> to vector<16xf32>
          %parallel_loop3A_502 = arith.constant 0 : i32
          %parallel_loop3A_503 = arith.index_cast %parallel_loop3A_497 : i32 to index
          %parallel_loop3A_504 = arith.index_cast %parallel_loop3A_502 : i32 to index
          %parallel_loop3A_505 = arith.constant 0 : index
          %parallel_loop3A_506 = tpu.vector_load %arg7[%parallel_loop3A_503, %parallel_loop3A_504, %parallel_loop3A_505] {strides = array<i32>} : memref<80x2x128xf32, #tpu.memory_space<vmem>>, vector<1x1x16xf32>,
          %parallel_loop3A_507 = vector.shape_cast %parallel_loop3A_506 : vector<1x1x16xf32> to vector<16xf32>
          %parallel_loop3A_508 = vector.shape_cast %parallel_loop3A_501 : vector<16xf32> to vector<1x1x16xf32>
          tpu.vector_store %arg7[%parallel_loop3A_503, %parallel_loop3A_504, %parallel_loop3A_505], %parallel_loop3A_508 {add = true, strides = array<i32>} : memref<80x2x128xf32, #tpu.memory_space<vmem>>, vector<1x1x16xf32>,
          %parallel_loop3A_509 = arith.constant 1 : i32
          %parallel_loop3A_510 = arith.index_cast %parallel_loop3A_497 : i32 to index
          %parallel_loop3A_511 = arith.index_cast %parallel_loop3A_509 : i32 to index
          %parallel_loop3A_512 = arith.constant 0 : index
          %parallel_loop3A_513 = tpu.vector_load %arg7[%parallel_loop3A_510, %parallel_loop3A_511, %parallel_loop3A_512] {strides = array<i32>} : memref<80x2x128xf32, #tpu.memory_space<vmem>>, vector<1x1x16xf32>,
          %parallel_loop3A_514 = vector.shape_cast %parallel_loop3A_513 : vector<1x1x16xf32> to vector<16xf32>
          %parallel_loop3A_515 = vector.shape_cast %parallel_loop3A_501 : vector<16xf32> to vector<1x1x16xf32>
          tpu.vector_store %arg7[%parallel_loop3A_510, %parallel_loop3A_511, %parallel_loop3A_512], %parallel_loop3A_515 {add = true, strides = array<i32>} : memref<80x2x128xf32, #tpu.memory_space<vmem>>, vector<1x1x16xf32>,
          %parallel_loop3A_516 = arith.index_cast %parallel_loop3A_497 : i32 to index
          %parallel_loop3A_517 = arith.constant 16 : index
          %parallel_loop3A_518 = tpu.vector_load %arg11[%parallel_loop3A_516, %parallel_loop3A_517] {strides = array<i32>} : memref<80x128xf32, #tpu.memory_space<vmem>>, vector<1x16xf32>,
          %parallel_loop3A_519 = vector.shape_cast %parallel_loop3A_518 : vector<1x16xf32> to vector<16xf32>
          %parallel_loop3A_520 = arith.constant 0 : i32
          %parallel_loop3A_521 = arith.index_cast %parallel_loop3A_497 : i32 to index
          %parallel_loop3A_522 = arith.index_cast %parallel_loop3A_520 : i32 to index
          %parallel_loop3A_523 = arith.constant 16 : index
          %parallel_loop3A_524 = tpu.vector_load %arg7[%parallel_loop3A_521, %parallel_loop3A_522, %parallel_loop3A_523] {strides = array<i32>} : memref<80x2x128xf32, #tpu.memory_space<vmem>>, vector<1x1x16xf32>,
          %parallel_loop3A_525 = vector.shape_cast %parallel_loop3A_524 : vector<1x1x16xf32> to vector<16xf32>
          %parallel_loop3A_526 = vector.shape_cast %parallel_loop3A_519 : vector<16xf32> to vector<1x1x16xf32>
          tpu.vector_store %arg7[%parallel_loop3A_521, %parallel_loop3A_522, %parallel_loop3A_523], %parallel_loop3A_526 {add = true, strides = array<i32>} : memref<80x2x128xf32, #tpu.memory_space<vmem>>, vector<1x1x16xf32>,
          %parallel_loop3A_527 = arith.constant 1 : i32
          %parallel_loop3A_528 = arith.index_cast %parallel_loop3A_497 : i32 to index
          %parallel_loop3A_529 = arith.index_cast %parallel_loop3A_527 : i32 to index
          %parallel_loop3A_530 = arith.constant 16 : index
          %parallel_loop3A_531 = tpu.vector_load %arg7[%parallel_loop3A_528, %parallel_loop3A_529, %parallel_loop3A_530] {strides = array<i32>} : memref<80x2x128xf32, #tpu.memory_space<vmem>>, vector<1x1x16xf32>,
          %parallel_loop3A_532 = vector.shape_cast %parallel_loop3A_531 : vector<1x1x16xf32> to vector<16xf32>
          %parallel_loop3A_533 = vector.shape_cast %parallel_loop3A_519 : vector<16xf32> to vector<1x1x16xf32>
          tpu.vector_store %arg7[%parallel_loop3A_528, %parallel_loop3A_529, %parallel_loop3A_530], %parallel_loop3A_533 {add = true, strides = array<i32>} : memref<80x2x128xf32, #tpu.memory_space<vmem>>, vector<1x1x16xf32>,
          %parallel_loop3A_534 = arith.index_cast %parallel_loop3A_497 : i32 to index
          %parallel_loop3A_535 = arith.constant 32 : index
          %parallel_loop3A_536 = tpu.vector_load %arg11[%parallel_loop3A_534, %parallel_loop3A_535] {strides = array<i32>} : memref<80x128xf32, #tpu.memory_space<vmem>>, vector<1x16xf32>,
          %parallel_loop3A_537 = vector.shape_cast %parallel_loop3A_536 : vector<1x16xf32> to vector<16xf32>
          %parallel_loop3A_538 = arith.constant 0 : i32
          %parallel_loop3A_539 = arith.index_cast %parallel_loop3A_497 : i32 to index
          %parallel_loop3A_540 = arith.index_cast %parallel_loop3A_538 : i32 to index
          %parallel_loop3A_541 = arith.constant 32 : index
          %parallel_loop3A_542 = tpu.vector_load %arg7[%parallel_loop3A_539, %parallel_loop3A_540, %parallel_loop3A_541] {strides = array<i32>} : memref<80x2x128xf32, #tpu.memory_space<vmem>>, vector<1x1x16xf32>,
          %parallel_loop3A_543 = vector.shape_cast %parallel_loop3A_542 : vector<1x1x16xf32> to vector<16xf32>
          %parallel_loop3A_544 = vector.shape_cast %parallel_loop3A_537 : vector<16xf32> to vector<1x1x16xf32>
          tpu.vector_store %arg7[%parallel_loop3A_539, %parallel_loop3A_540, %parallel_loop3A_541], %parallel_loop3A_544 {add = true, strides = array<i32>} : memref<80x2x128xf32, #tpu.memory_space<vmem>>, vector<1x1x16xf32>,
          %parallel_loop3A_545 = arith.constant 1 : i32
          %parallel_loop3A_546 = arith.index_cast %parallel_loop3A_497 : i32 to index
          %parallel_loop3A_547 = arith.index_cast %parallel_loop3A_545 : i32 to index
          %parallel_loop3A_548 = arith.constant 32 : index
          %parallel_loop3A_549 = tpu.vector_load %arg7[%parallel_loop3A_546, %parallel_loop3A_547, %parallel_loop3A_548] {strides = array<i32>} : memref<80x2x128xf32, #tpu.memory_space<vmem>>, vector<1x1x16xf32>,
          %parallel_loop3A_550 = vector.shape_cast %parallel_loop3A_549 : vector<1x1x16xf32> to vector<16xf32>
          %parallel_loop3A_551 = vector.shape_cast %parallel_loop3A_537 : vector<16xf32> to vector<1x1x16xf32>
          tpu.vector_store %arg7[%parallel_loop3A_546, %parallel_loop3A_547, %parallel_loop3A_548], %parallel_loop3A_551 {add = true, strides = array<i32>} : memref<80x2x128xf32, #tpu.memory_space<vmem>>, vector<1x1x16xf32>,
          %parallel_loop3A_552 = arith.index_cast %parallel_loop3A_497 : i32 to index
          %parallel_loop3A_553 = arith.constant 48 : index
          %parallel_loop3A_554 = tpu.vector_load %arg11[%parallel_loop3A_552, %parallel_loop3A_553] {strides = array<i32>} : memref<80x128xf32, #tpu.memory_space<vmem>>, vector<1x16xf32>,
          %parallel_loop3A_555 = vector.shape_cast %parallel_loop3A_554 : vector<1x16xf32> to vector<16xf32>
          %parallel_loop3A_556 = arith.constant 0 : i32
          %parallel_loop3A_557 = arith.index_cast %parallel_loop3A_497 : i32 to index
          %parallel_loop3A_558 = arith.index_cast %parallel_loop3A_556 : i32 to index
          %parallel_loop3A_559 = arith.constant 48 : index
          %parallel_loop3A_560 = tpu.vector_load %arg7[%parallel_loop3A_557, %parallel_loop3A_558, %parallel_loop3A_559] {strides = array<i32>} : memref<80x2x128xf32, #tpu.memory_space<vmem>>, vector<1x1x16xf32>,
          %parallel_loop3A_561 = vector.shape_cast %parallel_loop3A_560 : vector<1x1x16xf32> to vector<16xf32>
          %parallel_loop3A_562 = vector.shape_cast %parallel_loop3A_555 : vector<16xf32> to vector<1x1x16xf32>
          tpu.vector_store %arg7[%parallel_loop3A_557, %parallel_loop3A_558, %parallel_loop3A_559], %parallel_loop3A_562 {add = true, strides = array<i32>} : memref<80x2x128xf32, #tpu.memory_space<vmem>>, vector<1x1x16xf32>,
          %parallel_loop3A_563 = arith.constant 1 : i32
          %parallel_loop3A_564 = arith.index_cast %parallel_loop3A_497 : i32 to index
          %parallel_loop3A_565 = arith.index_cast %parallel_loop3A_563 : i32 to index
          %parallel_loop3A_566 = arith.constant 48 : index
          %parallel_loop3A_567 = tpu.vector_load %arg7[%parallel_loop3A_564, %parallel_loop3A_565, %parallel_loop3A_566] {strides = array<i32>} : memref<80x2x128xf32, #tpu.memory_space<vmem>>, vector<1x1x16xf32>,
          %parallel_loop3A_568 = vector.shape_cast %parallel_loop3A_567 : vector<1x1x16xf32> to vector<16xf32>
          %parallel_loop3A_569 = vector.shape_cast %parallel_loop3A_555 : vector<16xf32> to vector<1x1x16xf32>
          tpu.vector_store %arg7[%parallel_loop3A_564, %parallel_loop3A_565, %parallel_loop3A_566], %parallel_loop3A_569 {add = true, strides = array<i32>} : memref<80x2x128xf32, #tpu.memory_space<vmem>>, vector<1x1x16xf32>,
          %parallel_loop3A_570 = arith.index_cast %parallel_loop3A_497 : i32 to index
          %parallel_loop3A_571 = arith.constant 64 : index
          %parallel_loop3A_572 = tpu.vector_load %arg11[%parallel_loop3A_570, %parallel_loop3A_571] {strides = array<i32>} : memref<80x128xf32, #tpu.memory_space<vmem>>, vector<1x16xf32>,
          %parallel_loop3A_573 = vector.shape_cast %parallel_loop3A_572 : vector<1x16xf32> to vector<16xf32>
          %parallel_loop3A_574 = arith.constant 0 : i32
          %parallel_loop3A_575 = arith.index_cast %parallel_loop3A_497 : i32 to index
          %parallel_loop3A_576 = arith.index_cast %parallel_loop3A_574 : i32 to index
          %parallel_loop3A_577 = arith.constant 64 : index
          %parallel_loop3A_578 = tpu.vector_load %arg7[%parallel_loop3A_575, %parallel_loop3A_576, %parallel_loop3A_577] {strides = array<i32>} : memref<80x2x128xf32, #tpu.memory_space<vmem>>, vector<1x1x16xf32>,
          %parallel_loop3A_579 = vector.shape_cast %parallel_loop3A_578 : vector<1x1x16xf32> to vector<16xf32>
          %parallel_loop3A_580 = vector.shape_cast %parallel_loop3A_573 : vector<16xf32> to vector<1x1x16xf32>
          tpu.vector_store %arg7[%parallel_loop3A_575, %parallel_loop3A_576, %parallel_loop3A_577], %parallel_loop3A_580 {add = true, strides = array<i32>} : memref<80x2x128xf32, #tpu.memory_space<vmem>>, vector<1x1x16xf32>,
          %parallel_loop3A_581 = arith.constant 1 : i32
          %parallel_loop3A_582 = arith.index_cast %parallel_loop3A_497 : i32 to index
          %parallel_loop3A_583 = arith.index_cast %parallel_loop3A_581 : i32 to index
          %parallel_loop3A_584 = arith.constant 64 : index
          %parallel_loop3A_585 = tpu.vector_load %arg7[%parallel_loop3A_582, %parallel_loop3A_583, %parallel_loop3A_584] {strides = array<i32>} : memref<80x2x128xf32, #tpu.memory_space<vmem>>, vector<1x1x16xf32>,
          %parallel_loop3A_586 = vector.shape_cast %parallel_loop3A_585 : vector<1x1x16xf32> to vector<16xf32>
          %parallel_loop3A_587 = vector.shape_cast %parallel_loop3A_573 : vector<16xf32> to vector<1x1x16xf32>
          tpu.vector_store %arg7[%parallel_loop3A_582, %parallel_loop3A_583, %parallel_loop3A_584], %parallel_loop3A_587 {add = true, strides = array<i32>} : memref<80x2x128xf32, #tpu.memory_space<vmem>>, vector<1x1x16xf32>,
          %parallel_loop3A_588 = arith.index_cast %parallel_loop3A_497 : i32 to index
          %parallel_loop3A_589 = arith.constant 80 : index
          %parallel_loop3A_590 = tpu.vector_load %arg11[%parallel_loop3A_588, %parallel_loop3A_589] {strides = array<i32>} : memref<80x128xf32, #tpu.memory_space<vmem>>, vector<1x16xf32>,
          %parallel_loop3A_591 = vector.shape_cast %parallel_loop3A_590 : vector<1x16xf32> to vector<16xf32>
          %parallel_loop3A_592 = arith.constant 0 : i32
          %parallel_loop3A_593 = arith.index_cast %parallel_loop3A_497 : i32 to index
          %parallel_loop3A_594 = arith.index_cast %parallel_loop3A_592 : i32 to index
          %parallel_loop3A_595 = arith.constant 80 : index
          %parallel_loop3A_596 = tpu.vector_load %arg7[%parallel_loop3A_593, %parallel_loop3A_594, %parallel_loop3A_595] {strides = array<i32>} : memref<80x2x128xf32, #tpu.memory_space<vmem>>, vector<1x1x16xf32>,
          %parallel_loop3A_597 = vector.shape_cast %parallel_loop3A_596 : vector<1x1x16xf32> to vector<16xf32>
          %parallel_loop3A_598 = vector.shape_cast %parallel_loop3A_591 : vector<16xf32> to vector<1x1x16xf32>
          tpu.vector_store %arg7[%parallel_loop3A_593, %parallel_loop3A_594, %parallel_loop3A_595], %parallel_loop3A_598 {add = true, strides = array<i32>} : memref<80x2x128xf32, #tpu.memory_space<vmem>>, vector<1x1x16xf32>,
          %parallel_loop3A_599 = arith.constant 1 : i32
          %parallel_loop3A_600 = arith.index_cast %parallel_loop3A_497 : i32 to index
          %parallel_loop3A_601 = arith.index_cast %parallel_loop3A_599 : i32 to index
          %parallel_loop3A_602 = arith.constant 80 : index
          %parallel_loop3A_603 = tpu.vector_load %arg7[%parallel_loop3A_600, %parallel_loop3A_601, %parallel_loop3A_602] {strides = array<i32>} : memref<80x2x128xf32, #tpu.memory_space<vmem>>, vector<1x1x16xf32>,
          %parallel_loop3A_604 = vector.shape_cast %parallel_loop3A_603 : vector<1x1x16xf32> to vector<16xf32>
          %parallel_loop3A_605 = vector.shape_cast %parallel_loop3A_591 : vector<16xf32> to vector<1x1x16xf32>
          tpu.vector_store %arg7[%parallel_loop3A_600, %parallel_loop3A_601, %parallel_loop3A_602], %parallel_loop3A_605 {add = true, strides = array<i32>} : memref<80x2x128xf32, #tpu.memory_space<vmem>>, vector<1x1x16xf32>,
          %parallel_loop3A_606 = arith.index_cast %parallel_loop3A_497 : i32 to index
          %parallel_loop3A_607 = arith.constant 96 : index
          %parallel_loop3A_608 = tpu.vector_load %arg11[%parallel_loop3A_606, %parallel_loop3A_607] {strides = array<i32>} : memref<80x128xf32, #tpu.memory_space<vmem>>, vector<1x16xf32>,
          %parallel_loop3A_609 = vector.shape_cast %parallel_loop3A_608 : vector<1x16xf32> to vector<16xf32>
          %parallel_loop3A_610 = arith.constant 0 : i32
          %parallel_loop3A_611 = arith.index_cast %parallel_loop3A_497 : i32 to index
          %parallel_loop3A_612 = arith.index_cast %parallel_loop3A_610 : i32 to index
          %parallel_loop3A_613 = arith.constant 96 : index
          %parallel_loop3A_614 = tpu.vector_load %arg7[%parallel_loop3A_611, %parallel_loop3A_612, %parallel_loop3A_613] {strides = array<i32>} : memref<80x2x128xf32, #tpu.memory_space<vmem>>, vector<1x1x16xf32>,
          %parallel_loop3A_615 = vector.shape_cast %parallel_loop3A_614 : vector<1x1x16xf32> to vector<16xf32>
          %parallel_loop3A_616 = vector.shape_cast %parallel_loop3A_609 : vector<16xf32> to vector<1x1x16xf32>
          tpu.vector_store %arg7[%parallel_loop3A_611, %parallel_loop3A_612, %parallel_loop3A_613], %parallel_loop3A_616 {add = true, strides = array<i32>} : memref<80x2x128xf32, #tpu.memory_space<vmem>>, vector<1x1x16xf32>,
          %parallel_loop3A_617 = arith.constant 1 : i32
          %parallel_loop3A_618 = arith.index_cast %parallel_loop3A_497 : i32 to index
          %parallel_loop3A_619 = arith.index_cast %parallel_loop3A_617 : i32 to index
          %parallel_loop3A_620 = arith.constant 96 : index
          %parallel_loop3A_621 = tpu.vector_load %arg7[%parallel_loop3A_618, %parallel_loop3A_619, %parallel_loop3A_620] {strides = array<i32>} : memref<80x2x128xf32, #tpu.memory_space<vmem>>, vector<1x1x16xf32>,
          %parallel_loop3A_622 = vector.shape_cast %parallel_loop3A_621 : vector<1x1x16xf32> to vector<16xf32>
          %parallel_loop3A_623 = vector.shape_cast %parallel_loop3A_609 : vector<16xf32> to vector<1x1x16xf32>
          tpu.vector_store %arg7[%parallel_loop3A_618, %parallel_loop3A_619, %parallel_loop3A_620], %parallel_loop3A_623 {add = true, strides = array<i32>} : memref<80x2x128xf32, #tpu.memory_space<vmem>>, vector<1x1x16xf32>,
          %parallel_loop3A_624 = arith.index_cast %parallel_loop3A_497 : i32 to index
          %parallel_loop3A_625 = arith.constant 112 : index
          %parallel_loop3A_626 = tpu.vector_load %arg11[%parallel_loop3A_624, %parallel_loop3A_625] {strides = array<i32>} : memref<80x128xf32, #tpu.memory_space<vmem>>, vector<1x16xf32>,
          %parallel_loop3A_627 = vector.shape_cast %parallel_loop3A_626 : vector<1x16xf32> to vector<16xf32>
          %parallel_loop3A_628 = arith.constant 0 : i32
          %parallel_loop3A_629 = arith.index_cast %parallel_loop3A_497 : i32 to index
          %parallel_loop3A_630 = arith.index_cast %parallel_loop3A_628 : i32 to index
          %parallel_loop3A_631 = arith.constant 112 : index
          %parallel_loop3A_632 = tpu.vector_load %arg7[%parallel_loop3A_629, %parallel_loop3A_630, %parallel_loop3A_631] {strides = array<i32>} : memref<80x2x128xf32, #tpu.memory_space<vmem>>, vector<1x1x16xf32>,
          %parallel_loop3A_633 = vector.shape_cast %parallel_loop3A_632 : vector<1x1x16xf32> to vector<16xf32>
          %parallel_loop3A_634 = vector.shape_cast %parallel_loop3A_627 : vector<16xf32> to vector<1x1x16xf32>
          tpu.vector_store %arg7[%parallel_loop3A_629, %parallel_loop3A_630, %parallel_loop3A_631], %parallel_loop3A_634 {add = true, strides = array<i32>} : memref<80x2x128xf32, #tpu.memory_space<vmem>>, vector<1x1x16xf32>,
          %parallel_loop3A_635 = arith.constant 1 : i32
          %parallel_loop3A_636 = arith.index_cast %parallel_loop3A_497 : i32 to index
          %parallel_loop3A_637 = arith.index_cast %parallel_loop3A_635 : i32 to index
          %parallel_loop3A_638 = arith.constant 112 : index
          %parallel_loop3A_639 = tpu.vector_load %arg7[%parallel_loop3A_636, %parallel_loop3A_637, %parallel_loop3A_638] {strides = array<i32>} : memref<80x2x128xf32, #tpu.memory_space<vmem>>, vector<1x1x16xf32>,
          %parallel_loop3A_640 = vector.shape_cast %parallel_loop3A_639 : vector<1x1x16xf32> to vector<16xf32>
          %parallel_loop3A_641 = vector.shape_cast %parallel_loop3A_627 : vector<16xf32> to vector<1x1x16xf32>
          tpu.vector_store %arg7[%parallel_loop3A_636, %parallel_loop3A_637, %parallel_loop3A_638], %parallel_loop3A_641 {add = true, strides = array<i32>} : memref<80x2x128xf32, #tpu.memory_space<vmem>>, vector<1x1x16xf32>,
        } {sc.loop_unroll_factor = 2 : i64, sc.parallel_access}
        %mul3A_481 = arith.constant 32 : i32
        %mul3A_482 = arith.muli %add3A_452, %mul3A_481 : i32
        %add3A_483 = arith.addi %add3A, %mul3A_482 : i32
        %mul3A_484 = arith.constant 80 : i32
        %mul3A_485 = arith.muli %add3A_483, %mul3A_484 : i32
        %dma_start3A = arith.constant 0 : i32
        %dma_start3A_486 = arith.constant 0 : i32
        %dma_start3A_487 = tpu.memref_slice %arg4[%mul3A_485, %dma_start3A, %dma_start3A_486] : memref<100000x2x128xf32, #tpu.memory_space<hbm>> -> memref<80x2x128xf32, #tpu.memory_space<hbm>>
        %dma_start3A_488 = arith.constant 0 : i32
        %dma_start3A_489 = arith.constant 0 : i32
        %dma_start3A_490 = tpu.memref_slice %arg4[%mul3A_485, %dma_start3A_488, %dma_start3A_489] : memref<100000x2x128xf32, #tpu.memory_space<hbm>> -> memref<80x2x128xf32, #tpu.memory_space<hbm>>
        tpu.enqueue_dma source(%arg7 : memref<80x2x128xf32, #tpu.memory_space<vmem>>) target(%dma_start3A_490 : memref<80x2x128xf32, #tpu.memory_space<hbm>>) target_semaphore(%arg19 : memref<!tpu.dma_semaphore, #tpu.memory_space<semaphore_mem>>)
        %add3A_491 = arith.constant 3 : i32
        %add3A_492 = arith.addi %add3A_452, %add3A_491 : i32
        %lt3A_493 = arith.cmpi slt, %add3A_492, %select_n3A : i32
        %convert_element_type3A_494 = arith.extui %lt3A_493 : i1 to i32
        %cond3A_495 = arith.constant 0 : i32
        %cond3A_496 = arith.cmpi ne, %convert_element_type3A_494, %cond3A_495 : i32
        scf.if %cond3A_496 {
          %ge3A_497 = arith.constant 1 : i32
          %ge3A_498 = arith.cmpi sge, %add3A_452, %ge3A_497 : i32
          %convert_element_type3A_499 = arith.extui %ge3A_498 : i1 to i32
          %cond3A_500 = arith.constant 0 : i32
          %cond3A_501 = arith.cmpi ne, %convert_element_type3A_499, %cond3A_500 : i32
          scf.if %cond3A_501 {
            %dma_wait3A_517 = arith.constant 0 : i32
            %dma_wait3A_518 = arith.constant 0 : i32
            %dma_wait3A_519 = arith.constant 0 : i32
            %dma_wait3A_520 = tpu.memref_slice %arg4[%dma_wait3A_517, %dma_wait3A_518, %dma_wait3A_519] : memref<100000x2x128xf32, #tpu.memory_space<hbm>> -> memref<80x2x128xf32, #tpu.memory_space<hbm>>
            %dma_wait3A_521 = arith.constant 0 : i32
            %dma_wait3A_522 = arith.constant 0 : i32
            %dma_wait3A_523 = arith.constant 0 : i32
            %dma_wait3A_524 = tpu.memref_slice %arg4[%dma_wait3A_521, %dma_wait3A_522, %dma_wait3A_523] : memref<100000x2x128xf32, #tpu.memory_space<hbm>> -> memref<80x2x128xf32, #tpu.memory_space<hbm>>
            tpu.wait_dma2 semaphore(%arg18 : memref<!tpu.dma_semaphore, #tpu.memory_space<semaphore_mem>>) src(%arg6 : memref<80x2x128xf32, #tpu.memory_space<vmem>>) dst(%dma_wait3A_524 : memref<80x2x128xf32, #tpu.memory_space<hbm>>)
          } else {
          }
          %mul3A_502 = arith.constant 32 : i32
          %mul3A_503 = arith.muli %add3A_492, %mul3A_502 : i32
          %add3A_504 = arith.addi %add3A, %mul3A_503 : i32
          %mul3A_505 = arith.constant 80 : i32
          %mul3A_506 = arith.muli %add3A_504, %mul3A_505 : i32
          %dma_start3A_507 = arith.constant 0 : i32
          %dma_start3A_508 = arith.constant 0 : i32
          %dma_start3A_509 = tpu.memref_slice %arg2[%mul3A_506, %dma_start3A_507, %dma_start3A_508] : memref<100000x2x128xf32, #tpu.memory_space<hbm>> -> memref<80x2x128xf32, #tpu.memory_space<hbm>>
          %dma_start3A_510 = arith.constant 0 : i32
          %dma_start3A_511 = arith.constant 0 : i32
          %dma_start3A_512 = tpu.memref_slice %arg2[%mul3A_506, %dma_start3A_510, %dma_start3A_511] : memref<100000x2x128xf32, #tpu.memory_space<hbm>> -> memref<80x2x128xf32, #tpu.memory_space<hbm>>
          tpu.enqueue_dma source(%dma_start3A_512 : memref<80x2x128xf32, #tpu.memory_space<hbm>>) target(%arg6 : memref<80x2x128xf32, #tpu.memory_space<vmem>>) target_semaphore(%arg14 : memref<!tpu.dma_semaphore, #tpu.memory_space<semaphore_mem>>)
          %dma_start3A_513 = arith.constant 0 : i32
          %dma_start3A_514 = tpu.memref_slice %arg3[%mul3A_506, %dma_start3A_513] : memref<100000x128xf32, #tpu.memory_space<hbm>> -> memref<80x128xf32, #tpu.memory_space<hbm>>
          %dma_start3A_515 = arith.constant 0 : i32
          %dma_start3A_516 = tpu.memref_slice %arg3[%mul3A_506, %dma_start3A_515] : memref<100000x128xf32, #tpu.memory_space<hbm>> -> memref<80x128xf32, #tpu.memory_space<hbm>>
          tpu.enqueue_dma source(%dma_start3A_516 : memref<80x128xf32, #tpu.memory_space<hbm>>) target(%arg10 : memref<80x128xf32, #tpu.memory_space<vmem>>) target_semaphore(%arg14 : memref<!tpu.dma_semaphore, #tpu.memory_space<semaphore_mem>>)
        } else {
        }
      } else {
      }
      %mul3A_457 = arith.constant 4 : i32
      %mul3A_458 = arith.muli %scan3A_431, %mul3A_457 : i32
      %add3A_459 = arith.constant 3 : i32
      %add3A_460 = arith.addi %mul3A_458, %add3A_459 : i32
      %lt3A_461 = arith.cmpi slt, %add3A_460, %select_n3A : i32
      %convert_element_type3A_462 = arith.extui %lt3A_461 : i1 to i32
      %cond3A_463 = arith.constant 0 : i32
      %cond3A_464 = arith.cmpi ne, %convert_element_type3A_462, %cond3A_463 : i32
      scf.if %cond3A_464 {
        %dma_wait3A = arith.constant 0 : i32
        %dma_wait3A_466 = arith.constant 0 : i32
        %dma_wait3A_467 = arith.constant 0 : i32
        %dma_wait3A_468 = tpu.memref_slice %arg2[%dma_wait3A, %dma_wait3A_466, %dma_wait3A_467] : memref<100000x2x128xf32, #tpu.memory_space<hbm>> -> memref<80x2x128xf32, #tpu.memory_space<hbm>>
        %dma_wait3A_469 = arith.constant 0 : i32
        %dma_wait3A_470 = arith.constant 0 : i32
        %dma_wait3A_471 = arith.constant 0 : i32
        %dma_wait3A_472 = tpu.memref_slice %arg2[%dma_wait3A_469, %dma_wait3A_470, %dma_wait3A_471] : memref<100000x2x128xf32, #tpu.memory_space<hbm>> -> memref<80x2x128xf32, #tpu.memory_space<hbm>>
        tpu.wait_dma2 semaphore(%arg16 : memref<!tpu.dma_semaphore, #tpu.memory_space<semaphore_mem>>) src(%dma_wait3A_472 : memref<80x2x128xf32, #tpu.memory_space<hbm>>) dst(%arg8 : memref<80x2x128xf32, #tpu.memory_space<vmem>>)
        %dma_wait3A_473 = arith.constant 0 : i32
        %dma_wait3A_474 = arith.constant 0 : i32
        %dma_wait3A_475 = tpu.memref_slice %arg3[%dma_wait3A_473, %dma_wait3A_474] : memref<100000x128xf32, #tpu.memory_space<hbm>> -> memref<80x128xf32, #tpu.memory_space<hbm>>
        %dma_wait3A_476 = arith.constant 0 : i32
        %dma_wait3A_477 = arith.constant 0 : i32
        %dma_wait3A_478 = tpu.memref_slice %arg3[%dma_wait3A_476, %dma_wait3A_477] : memref<100000x128xf32, #tpu.memory_space<hbm>> -> memref<80x128xf32, #tpu.memory_space<hbm>>
        tpu.wait_dma2 semaphore(%arg16 : memref<!tpu.dma_semaphore, #tpu.memory_space<semaphore_mem>>) src(%dma_wait3A_478 : memref<80x128xf32, #tpu.memory_space<hbm>>) dst(%arg12 : memref<80x128xf32, #tpu.memory_space<vmem>>)
        %parallel_loop3A = arith.constant 0 : i32
        %parallel_loop3A_479 = arith.constant 80 : i32
        %parallel_loop3A_480 = arith.constant 1 : i32
        scf.for %parallel_loop3A_497 = %parallel_loop3A to %parallel_loop3A_479 step %parallel_loop3A_480  : i32 {
          %parallel_loop3A_498 = arith.index_cast %parallel_loop3A_497 : i32 to index
          %parallel_loop3A_499 = arith.constant 0 : index
          %parallel_loop3A_500 = tpu.vector_load %arg12[%parallel_loop3A_498, %parallel_loop3A_499] {strides = array<i32>} : memref<80x128xf32, #tpu.memory_space<vmem>>, vector<1x16xf32>,
          %parallel_loop3A_501 = vector.shape_cast %parallel_loop3A_500 : vector<1x16xf32> to vector<16xf32>
          %parallel_loop3A_502 = arith.constant 0 : i32
          %parallel_loop3A_503 = arith.index_cast %parallel_loop3A_497 : i32 to index
          %parallel_loop3A_504 = arith.index_cast %parallel_loop3A_502 : i32 to index
          %parallel_loop3A_505 = arith.constant 0 : index
          %parallel_loop3A_506 = tpu.vector_load %arg8[%parallel_loop3A_503, %parallel_loop3A_504, %parallel_loop3A_505] {strides = array<i32>} : memref<80x2x128xf32, #tpu.memory_space<vmem>>, vector<1x1x16xf32>,
          %parallel_loop3A_507 = vector.shape_cast %parallel_loop3A_506 : vector<1x1x16xf32> to vector<16xf32>
          %parallel_loop3A_508 = vector.shape_cast %parallel_loop3A_501 : vector<16xf32> to vector<1x1x16xf32>
          tpu.vector_store %arg8[%parallel_loop3A_503, %parallel_loop3A_504, %parallel_loop3A_505], %parallel_loop3A_508 {add = true, strides = array<i32>} : memref<80x2x128xf32, #tpu.memory_space<vmem>>, vector<1x1x16xf32>,
          %parallel_loop3A_509 = arith.constant 1 : i32
          %parallel_loop3A_510 = arith.index_cast %parallel_loop3A_497 : i32 to index
          %parallel_loop3A_511 = arith.index_cast %parallel_loop3A_509 : i32 to index
          %parallel_loop3A_512 = arith.constant 0 : index
          %parallel_loop3A_513 = tpu.vector_load %arg8[%parallel_loop3A_510, %parallel_loop3A_511, %parallel_loop3A_512] {strides = array<i32>} : memref<80x2x128xf32, #tpu.memory_space<vmem>>, vector<1x1x16xf32>,
          %parallel_loop3A_514 = vector.shape_cast %parallel_loop3A_513 : vector<1x1x16xf32> to vector<16xf32>
          %parallel_loop3A_515 = vector.shape_cast %parallel_loop3A_501 : vector<16xf32> to vector<1x1x16xf32>
          tpu.vector_store %arg8[%parallel_loop3A_510, %parallel_loop3A_511, %parallel_loop3A_512], %parallel_loop3A_515 {add = true, strides = array<i32>} : memref<80x2x128xf32, #tpu.memory_space<vmem>>, vector<1x1x16xf32>,
          %parallel_loop3A_516 = arith.index_cast %parallel_loop3A_497 : i32 to index
          %parallel_loop3A_517 = arith.constant 16 : index
          %parallel_loop3A_518 = tpu.vector_load %arg12[%parallel_loop3A_516, %parallel_loop3A_517] {strides = array<i32>} : memref<80x128xf32, #tpu.memory_space<vmem>>, vector<1x16xf32>,
          %parallel_loop3A_519 = vector.shape_cast %parallel_loop3A_518 : vector<1x16xf32> to vector<16xf32>
          %parallel_loop3A_520 = arith.constant 0 : i32
          %parallel_loop3A_521 = arith.index_cast %parallel_loop3A_497 : i32 to index
          %parallel_loop3A_522 = arith.index_cast %parallel_loop3A_520 : i32 to index
          %parallel_loop3A_523 = arith.constant 16 : index
          %parallel_loop3A_524 = tpu.vector_load %arg8[%parallel_loop3A_521, %parallel_loop3A_522, %parallel_loop3A_523] {strides = array<i32>} : memref<80x2x128xf32, #tpu.memory_space<vmem>>, vector<1x1x16xf32>,
          %parallel_loop3A_525 = vector.shape_cast %parallel_loop3A_524 : vector<1x1x16xf32> to vector<16xf32>
          %parallel_loop3A_526 = vector.shape_cast %parallel_loop3A_519 : vector<16xf32> to vector<1x1x16xf32>
          tpu.vector_store %arg8[%parallel_loop3A_521, %parallel_loop3A_522, %parallel_loop3A_523], %parallel_loop3A_526 {add = true, strides = array<i32>} : memref<80x2x128xf32, #tpu.memory_space<vmem>>, vector<1x1x16xf32>,
          %parallel_loop3A_527 = arith.constant 1 : i32
          %parallel_loop3A_528 = arith.index_cast %parallel_loop3A_497 : i32 to index
          %parallel_loop3A_529 = arith.index_cast %parallel_loop3A_527 : i32 to index
          %parallel_loop3A_530 = arith.constant 16 : index
          %parallel_loop3A_531 = tpu.vector_load %arg8[%parallel_loop3A_528, %parallel_loop3A_529, %parallel_loop3A_530] {strides = array<i32>} : memref<80x2x128xf32, #tpu.memory_space<vmem>>, vector<1x1x16xf32>,
          %parallel_loop3A_532 = vector.shape_cast %parallel_loop3A_531 : vector<1x1x16xf32> to vector<16xf32>
          %parallel_loop3A_533 = vector.shape_cast %parallel_loop3A_519 : vector<16xf32> to vector<1x1x16xf32>
          tpu.vector_store %arg8[%parallel_loop3A_528, %parallel_loop3A_529, %parallel_loop3A_530], %parallel_loop3A_533 {add = true, strides = array<i32>} : memref<80x2x128xf32, #tpu.memory_space<vmem>>, vector<1x1x16xf32>,
          %parallel_loop3A_534 = arith.index_cast %parallel_loop3A_497 : i32 to index
          %parallel_loop3A_535 = arith.constant 32 : index
          %parallel_loop3A_536 = tpu.vector_load %arg12[%parallel_loop3A_534, %parallel_loop3A_535] {strides = array<i32>} : memref<80x128xf32, #tpu.memory_space<vmem>>, vector<1x16xf32>,
          %parallel_loop3A_537 = vector.shape_cast %parallel_loop3A_536 : vector<1x16xf32> to vector<16xf32>
          %parallel_loop3A_538 = arith.constant 0 : i32
          %parallel_loop3A_539 = arith.index_cast %parallel_loop3A_497 : i32 to index
          %parallel_loop3A_540 = arith.index_cast %parallel_loop3A_538 : i32 to index
          %parallel_loop3A_541 = arith.constant 32 : index
          %parallel_loop3A_542 = tpu.vector_load %arg8[%parallel_loop3A_539, %parallel_loop3A_540, %parallel_loop3A_541] {strides = array<i32>} : memref<80x2x128xf32, #tpu.memory_space<vmem>>, vector<1x1x16xf32>,
          %parallel_loop3A_543 = vector.shape_cast %parallel_loop3A_542 : vector<1x1x16xf32> to vector<16xf32>
          %parallel_loop3A_544 = vector.shape_cast %parallel_loop3A_537 : vector<16xf32> to vector<1x1x16xf32>
          tpu.vector_store %arg8[%parallel_loop3A_539, %parallel_loop3A_540, %parallel_loop3A_541], %parallel_loop3A_544 {add = true, strides = array<i32>} : memref<80x2x128xf32, #tpu.memory_space<vmem>>, vector<1x1x16xf32>,
          %parallel_loop3A_545 = arith.constant 1 : i32
          %parallel_loop3A_546 = arith.index_cast %parallel_loop3A_497 : i32 to index
          %parallel_loop3A_547 = arith.index_cast %parallel_loop3A_545 : i32 to index
          %parallel_loop3A_548 = arith.constant 32 : index
          %parallel_loop3A_549 = tpu.vector_load %arg8[%parallel_loop3A_546, %parallel_loop3A_547, %parallel_loop3A_548] {strides = array<i32>} : memref<80x2x128xf32, #tpu.memory_space<vmem>>, vector<1x1x16xf32>,
          %parallel_loop3A_550 = vector.shape_cast %parallel_loop3A_549 : vector<1x1x16xf32> to vector<16xf32>
          %parallel_loop3A_551 = vector.shape_cast %parallel_loop3A_537 : vector<16xf32> to vector<1x1x16xf32>
          tpu.vector_store %arg8[%parallel_loop3A_546, %parallel_loop3A_547, %parallel_loop3A_548], %parallel_loop3A_551 {add = true, strides = array<i32>} : memref<80x2x128xf32, #tpu.memory_space<vmem>>, vector<1x1x16xf32>,
          %parallel_loop3A_552 = arith.index_cast %parallel_loop3A_497 : i32 to index
          %parallel_loop3A_553 = arith.constant 48 : index
          %parallel_loop3A_554 = tpu.vector_load %arg12[%parallel_loop3A_552, %parallel_loop3A_553] {strides = array<i32>} : memref<80x128xf32, #tpu.memory_space<vmem>>, vector<1x16xf32>,
          %parallel_loop3A_555 = vector.shape_cast %parallel_loop3A_554 : vector<1x16xf32> to vector<16xf32>
          %parallel_loop3A_556 = arith.constant 0 : i32
          %parallel_loop3A_557 = arith.index_cast %parallel_loop3A_497 : i32 to index
          %parallel_loop3A_558 = arith.index_cast %parallel_loop3A_556 : i32 to index
          %parallel_loop3A_559 = arith.constant 48 : index
          %parallel_loop3A_560 = tpu.vector_load %arg8[%parallel_loop3A_557, %parallel_loop3A_558, %parallel_loop3A_559] {strides = array<i32>} : memref<80x2x128xf32, #tpu.memory_space<vmem>>, vector<1x1x16xf32>,
          %parallel_loop3A_561 = vector.shape_cast %parallel_loop3A_560 : vector<1x1x16xf32> to vector<16xf32>
          %parallel_loop3A_562 = vector.shape_cast %parallel_loop3A_555 : vector<16xf32> to vector<1x1x16xf32>
          tpu.vector_store %arg8[%parallel_loop3A_557, %parallel_loop3A_558, %parallel_loop3A_559], %parallel_loop3A_562 {add = true, strides = array<i32>} : memref<80x2x128xf32, #tpu.memory_space<vmem>>, vector<1x1x16xf32>,
          %parallel_loop3A_563 = arith.constant 1 : i32
          %parallel_loop3A_564 = arith.index_cast %parallel_loop3A_497 : i32 to index
          %parallel_loop3A_565 = arith.index_cast %parallel_loop3A_563 : i32 to index
          %parallel_loop3A_566 = arith.constant 48 : index
          %parallel_loop3A_567 = tpu.vector_load %arg8[%parallel_loop3A_564, %parallel_loop3A_565, %parallel_loop3A_566] {strides = array<i32>} : memref<80x2x128xf32, #tpu.memory_space<vmem>>, vector<1x1x16xf32>,
          %parallel_loop3A_568 = vector.shape_cast %parallel_loop3A_567 : vector<1x1x16xf32> to vector<16xf32>
          %parallel_loop3A_569 = vector.shape_cast %parallel_loop3A_555 : vector<16xf32> to vector<1x1x16xf32>
          tpu.vector_store %arg8[%parallel_loop3A_564, %parallel_loop3A_565, %parallel_loop3A_566], %parallel_loop3A_569 {add = true, strides = array<i32>} : memref<80x2x128xf32, #tpu.memory_space<vmem>>, vector<1x1x16xf32>,
          %parallel_loop3A_570 = arith.index_cast %parallel_loop3A_497 : i32 to index
          %parallel_loop3A_571 = arith.constant 64 : index
          %parallel_loop3A_572 = tpu.vector_load %arg12[%parallel_loop3A_570, %parallel_loop3A_571] {strides = array<i32>} : memref<80x128xf32, #tpu.memory_space<vmem>>, vector<1x16xf32>,
          %parallel_loop3A_573 = vector.shape_cast %parallel_loop3A_572 : vector<1x16xf32> to vector<16xf32>
          %parallel_loop3A_574 = arith.constant 0 : i32
          %parallel_loop3A_575 = arith.index_cast %parallel_loop3A_497 : i32 to index
          %parallel_loop3A_576 = arith.index_cast %parallel_loop3A_574 : i32 to index
          %parallel_loop3A_577 = arith.constant 64 : index
          %parallel_loop3A_578 = tpu.vector_load %arg8[%parallel_loop3A_575, %parallel_loop3A_576, %parallel_loop3A_577] {strides = array<i32>} : memref<80x2x128xf32, #tpu.memory_space<vmem>>, vector<1x1x16xf32>,
          %parallel_loop3A_579 = vector.shape_cast %parallel_loop3A_578 : vector<1x1x16xf32> to vector<16xf32>
          %parallel_loop3A_580 = vector.shape_cast %parallel_loop3A_573 : vector<16xf32> to vector<1x1x16xf32>
          tpu.vector_store %arg8[%parallel_loop3A_575, %parallel_loop3A_576, %parallel_loop3A_577], %parallel_loop3A_580 {add = true, strides = array<i32>} : memref<80x2x128xf32, #tpu.memory_space<vmem>>, vector<1x1x16xf32>,
          %parallel_loop3A_581 = arith.constant 1 : i32
          %parallel_loop3A_582 = arith.index_cast %parallel_loop3A_497 : i32 to index
          %parallel_loop3A_583 = arith.index_cast %parallel_loop3A_581 : i32 to index
          %parallel_loop3A_584 = arith.constant 64 : index
          %parallel_loop3A_585 = tpu.vector_load %arg8[%parallel_loop3A_582, %parallel_loop3A_583, %parallel_loop3A_584] {strides = array<i32>} : memref<80x2x128xf32, #tpu.memory_space<vmem>>, vector<1x1x16xf32>,
          %parallel_loop3A_586 = vector.shape_cast %parallel_loop3A_585 : vector<1x1x16xf32> to vector<16xf32>
          %parallel_loop3A_587 = vector.shape_cast %parallel_loop3A_573 : vector<16xf32> to vector<1x1x16xf32>
          tpu.vector_store %arg8[%parallel_loop3A_582, %parallel_loop3A_583, %parallel_loop3A_584], %parallel_loop3A_587 {add = true, strides = array<i32>} : memref<80x2x128xf32, #tpu.memory_space<vmem>>, vector<1x1x16xf32>,
          %parallel_loop3A_588 = arith.index_cast %parallel_loop3A_497 : i32 to index
          %parallel_loop3A_589 = arith.constant 80 : index
          %parallel_loop3A_590 = tpu.vector_load %arg12[%parallel_loop3A_588, %parallel_loop3A_589] {strides = array<i32>} : memref<80x128xf32, #tpu.memory_space<vmem>>, vector<1x16xf32>,
          %parallel_loop3A_591 = vector.shape_cast %parallel_loop3A_590 : vector<1x16xf32> to vector<16xf32>
          %parallel_loop3A_592 = arith.constant 0 : i32
          %parallel_loop3A_593 = arith.index_cast %parallel_loop3A_497 : i32 to index
          %parallel_loop3A_594 = arith.index_cast %parallel_loop3A_592 : i32 to index
          %parallel_loop3A_595 = arith.constant 80 : index
          %parallel_loop3A_596 = tpu.vector_load %arg8[%parallel_loop3A_593, %parallel_loop3A_594, %parallel_loop3A_595] {strides = array<i32>} : memref<80x2x128xf32, #tpu.memory_space<vmem>>, vector<1x1x16xf32>,
          %parallel_loop3A_597 = vector.shape_cast %parallel_loop3A_596 : vector<1x1x16xf32> to vector<16xf32>
          %parallel_loop3A_598 = vector.shape_cast %parallel_loop3A_591 : vector<16xf32> to vector<1x1x16xf32>
          tpu.vector_store %arg8[%parallel_loop3A_593, %parallel_loop3A_594, %parallel_loop3A_595], %parallel_loop3A_598 {add = true, strides = array<i32>} : memref<80x2x128xf32, #tpu.memory_space<vmem>>, vector<1x1x16xf32>,
          %parallel_loop3A_599 = arith.constant 1 : i32
          %parallel_loop3A_600 = arith.index_cast %parallel_loop3A_497 : i32 to index
          %parallel_loop3A_601 = arith.index_cast %parallel_loop3A_599 : i32 to index
          %parallel_loop3A_602 = arith.constant 80 : index
          %parallel_loop3A_603 = tpu.vector_load %arg8[%parallel_loop3A_600, %parallel_loop3A_601, %parallel_loop3A_602] {strides = array<i32>} : memref<80x2x128xf32, #tpu.memory_space<vmem>>, vector<1x1x16xf32>,
          %parallel_loop3A_604 = vector.shape_cast %parallel_loop3A_603 : vector<1x1x16xf32> to vector<16xf32>
          %parallel_loop3A_605 = vector.shape_cast %parallel_loop3A_591 : vector<16xf32> to vector<1x1x16xf32>
          tpu.vector_store %arg8[%parallel_loop3A_600, %parallel_loop3A_601, %parallel_loop3A_602], %parallel_loop3A_605 {add = true, strides = array<i32>} : memref<80x2x128xf32, #tpu.memory_space<vmem>>, vector<1x1x16xf32>,
          %parallel_loop3A_606 = arith.index_cast %parallel_loop3A_497 : i32 to index
          %parallel_loop3A_607 = arith.constant 96 : index
          %parallel_loop3A_608 = tpu.vector_load %arg12[%parallel_loop3A_606, %parallel_loop3A_607] {strides = array<i32>} : memref<80x128xf32, #tpu.memory_space<vmem>>, vector<1x16xf32>,
          %parallel_loop3A_609 = vector.shape_cast %parallel_loop3A_608 : vector<1x16xf32> to vector<16xf32>
          %parallel_loop3A_610 = arith.constant 0 : i32
          %parallel_loop3A_611 = arith.index_cast %parallel_loop3A_497 : i32 to index
          %parallel_loop3A_612 = arith.index_cast %parallel_loop3A_610 : i32 to index
          %parallel_loop3A_613 = arith.constant 96 : index
          %parallel_loop3A_614 = tpu.vector_load %arg8[%parallel_loop3A_611, %parallel_loop3A_612, %parallel_loop3A_613] {strides = array<i32>} : memref<80x2x128xf32, #tpu.memory_space<vmem>>, vector<1x1x16xf32>,
          %parallel_loop3A_615 = vector.shape_cast %parallel_loop3A_614 : vector<1x1x16xf32> to vector<16xf32>
          %parallel_loop3A_616 = vector.shape_cast %parallel_loop3A_609 : vector<16xf32> to vector<1x1x16xf32>
          tpu.vector_store %arg8[%parallel_loop3A_611, %parallel_loop3A_612, %parallel_loop3A_613], %parallel_loop3A_616 {add = true, strides = array<i32>} : memref<80x2x128xf32, #tpu.memory_space<vmem>>, vector<1x1x16xf32>,
          %parallel_loop3A_617 = arith.constant 1 : i32
          %parallel_loop3A_618 = arith.index_cast %parallel_loop3A_497 : i32 to index
          %parallel_loop3A_619 = arith.index_cast %parallel_loop3A_617 : i32 to index
          %parallel_loop3A_620 = arith.constant 96 : index
          %parallel_loop3A_621 = tpu.vector_load %arg8[%parallel_loop3A_618, %parallel_loop3A_619, %parallel_loop3A_620] {strides = array<i32>} : memref<80x2x128xf32, #tpu.memory_space<vmem>>, vector<1x1x16xf32>,
          %parallel_loop3A_622 = vector.shape_cast %parallel_loop3A_621 : vector<1x1x16xf32> to vector<16xf32>
          %parallel_loop3A_623 = vector.shape_cast %parallel_loop3A_609 : vector<16xf32> to vector<1x1x16xf32>
          tpu.vector_store %arg8[%parallel_loop3A_618, %parallel_loop3A_619, %parallel_loop3A_620], %parallel_loop3A_623 {add = true, strides = array<i32>} : memref<80x2x128xf32, #tpu.memory_space<vmem>>, vector<1x1x16xf32>,
          %parallel_loop3A_624 = arith.index_cast %parallel_loop3A_497 : i32 to index
          %parallel_loop3A_625 = arith.constant 112 : index
          %parallel_loop3A_626 = tpu.vector_load %arg12[%parallel_loop3A_624, %parallel_loop3A_625] {strides = array<i32>} : memref<80x128xf32, #tpu.memory_space<vmem>>, vector<1x16xf32>,
          %parallel_loop3A_627 = vector.shape_cast %parallel_loop3A_626 : vector<1x16xf32> to vector<16xf32>
          %parallel_loop3A_628 = arith.constant 0 : i32
          %parallel_loop3A_629 = arith.index_cast %parallel_loop3A_497 : i32 to index
          %parallel_loop3A_630 = arith.index_cast %parallel_loop3A_628 : i32 to index
          %parallel_loop3A_631 = arith.constant 112 : index
          %parallel_loop3A_632 = tpu.vector_load %arg8[%parallel_loop3A_629, %parallel_loop3A_630, %parallel_loop3A_631] {strides = array<i32>} : memref<80x2x128xf32, #tpu.memory_space<vmem>>, vector<1x1x16xf32>,
          %parallel_loop3A_633 = vector.shape_cast %parallel_loop3A_632 : vector<1x1x16xf32> to vector<16xf32>
          %parallel_loop3A_634 = vector.shape_cast %parallel_loop3A_627 : vector<16xf32> to vector<1x1x16xf32>
          tpu.vector_store %arg8[%parallel_loop3A_629, %parallel_loop3A_630, %parallel_loop3A_631], %parallel_loop3A_634 {add = true, strides = array<i32>} : memref<80x2x128xf32, #tpu.memory_space<vmem>>, vector<1x1x16xf32>,
          %parallel_loop3A_635 = arith.constant 1 : i32
          %parallel_loop3A_636 = arith.index_cast %parallel_loop3A_497 : i32 to index
          %parallel_loop3A_637 = arith.index_cast %parallel_loop3A_635 : i32 to index
          %parallel_loop3A_638 = arith.constant 112 : index
          %parallel_loop3A_639 = tpu.vector_load %arg8[%parallel_loop3A_636, %parallel_loop3A_637, %parallel_loop3A_638] {strides = array<i32>} : memref<80x2x128xf32, #tpu.memory_space<vmem>>, vector<1x1x16xf32>,
          %parallel_loop3A_640 = vector.shape_cast %parallel_loop3A_639 : vector<1x1x16xf32> to vector<16xf32>
          %parallel_loop3A_641 = vector.shape_cast %parallel_loop3A_627 : vector<16xf32> to vector<1x1x16xf32>
          tpu.vector_store %arg8[%parallel_loop3A_636, %parallel_loop3A_637, %parallel_loop3A_638], %parallel_loop3A_641 {add = true, strides = array<i32>} : memref<80x2x128xf32, #tpu.memory_space<vmem>>, vector<1x1x16xf32>,
        } {sc.loop_unroll_factor = 2 : i64, sc.parallel_access}
        %mul3A_481 = arith.constant 32 : i32
        %mul3A_482 = arith.muli %add3A_460, %mul3A_481 : i32
        %add3A_483 = arith.addi %add3A, %mul3A_482 : i32
        %mul3A_484 = arith.constant 80 : i32
        %mul3A_485 = arith.muli %add3A_483, %mul3A_484 : i32
        %dma_start3A = arith.constant 0 : i32
        %dma_start3A_486 = arith.constant 0 : i32
        %dma_start3A_487 = tpu.memref_slice %arg4[%mul3A_485, %dma_start3A, %dma_start3A_486] : memref<100000x2x128xf32, #tpu.memory_space<hbm>> -> memref<80x2x128xf32, #tpu.memory_space<hbm>>
        %dma_start3A_488 = arith.constant 0 : i32
        %dma_start3A_489 = arith.constant 0 : i32
        %dma_start3A_490 = tpu.memref_slice %arg4[%mul3A_485, %dma_start3A_488, %dma_start3A_489] : memref<100000x2x128xf32, #tpu.memory_space<hbm>> -> memref<80x2x128xf32, #tpu.memory_space<hbm>>
        tpu.enqueue_dma source(%arg8 : memref<80x2x128xf32, #tpu.memory_space<vmem>>) target(%dma_start3A_490 : memref<80x2x128xf32, #tpu.memory_space<hbm>>) target_semaphore(%arg20 : memref<!tpu.dma_semaphore, #tpu.memory_space<semaphore_mem>>)
        %add3A_491 = arith.constant 3 : i32
        %add3A_492 = arith.addi %add3A_460, %add3A_491 : i32
        %lt3A_493 = arith.cmpi slt, %add3A_492, %select_n3A : i32
        %convert_element_type3A_494 = arith.extui %lt3A_493 : i1 to i32
        %cond3A_495 = arith.constant 0 : i32
        %cond3A_496 = arith.cmpi ne, %convert_element_type3A_494, %cond3A_495 : i32
        scf.if %cond3A_496 {
          %ge3A_497 = arith.constant 1 : i32
          %ge3A_498 = arith.cmpi sge, %add3A_460, %ge3A_497 : i32
          %convert_element_type3A_499 = arith.extui %ge3A_498 : i1 to i32
          %cond3A_500 = arith.constant 0 : i32
          %cond3A_501 = arith.cmpi ne, %convert_element_type3A_499, %cond3A_500 : i32
          scf.if %cond3A_501 {
            %dma_wait3A_517 = arith.constant 0 : i32
            %dma_wait3A_518 = arith.constant 0 : i32
            %dma_wait3A_519 = arith.constant 0 : i32
            %dma_wait3A_520 = tpu.memref_slice %arg4[%dma_wait3A_517, %dma_wait3A_518, %dma_wait3A_519] : memref<100000x2x128xf32, #tpu.memory_space<hbm>> -> memref<80x2x128xf32, #tpu.memory_space<hbm>>
            %dma_wait3A_521 = arith.constant 0 : i32
            %dma_wait3A_522 = arith.constant 0 : i32
            %dma_wait3A_523 = arith.constant 0 : i32
            %dma_wait3A_524 = tpu.memref_slice %arg4[%dma_wait3A_521, %dma_wait3A_522, %dma_wait3A_523] : memref<100000x2x128xf32, #tpu.memory_space<hbm>> -> memref<80x2x128xf32, #tpu.memory_space<hbm>>
            tpu.wait_dma2 semaphore(%arg19 : memref<!tpu.dma_semaphore, #tpu.memory_space<semaphore_mem>>) src(%arg7 : memref<80x2x128xf32, #tpu.memory_space<vmem>>) dst(%dma_wait3A_524 : memref<80x2x128xf32, #tpu.memory_space<hbm>>)
          } else {
          }
          %mul3A_502 = arith.constant 32 : i32
          %mul3A_503 = arith.muli %add3A_492, %mul3A_502 : i32
          %add3A_504 = arith.addi %add3A, %mul3A_503 : i32
          %mul3A_505 = arith.constant 80 : i32
          %mul3A_506 = arith.muli %add3A_504, %mul3A_505 : i32
          %dma_start3A_507 = arith.constant 0 : i32
          %dma_start3A_508 = arith.constant 0 : i32
          %dma_start3A_509 = tpu.memref_slice %arg2[%mul3A_506, %dma_start3A_507, %dma_start3A_508] : memref<100000x2x128xf32, #tpu.memory_space<hbm>> -> memref<80x2x128xf32, #tpu.memory_space<hbm>>
          %dma_start3A_510 = arith.constant 0 : i32
          %dma_start3A_511 = arith.constant 0 : i32
          %dma_start3A_512 = tpu.memref_slice %arg2[%mul3A_506, %dma_start3A_510, %dma_start3A_511] : memref<100000x2x128xf32, #tpu.memory_space<hbm>> -> memref<80x2x128xf32, #tpu.memory_space<hbm>>
          tpu.enqueue_dma source(%dma_start3A_512 : memref<80x2x128xf32, #tpu.memory_space<hbm>>) target(%arg7 : memref<80x2x128xf32, #tpu.memory_space<vmem>>) target_semaphore(%arg15 : memref<!tpu.dma_semaphore, #tpu.memory_space<semaphore_mem>>)
          %dma_start3A_513 = arith.constant 0 : i32
          %dma_start3A_514 = tpu.memref_slice %arg3[%mul3A_506, %dma_start3A_513] : memref<100000x128xf32, #tpu.memory_space<hbm>> -> memref<80x128xf32, #tpu.memory_space<hbm>>
          %dma_start3A_515 = arith.constant 0 : i32
          %dma_start3A_516 = tpu.memref_slice %arg3[%mul3A_506, %dma_start3A_515] : memref<100000x128xf32, #tpu.memory_space<hbm>> -> memref<80x128xf32, #tpu.memory_space<hbm>>
          tpu.enqueue_dma source(%dma_start3A_516 : memref<80x128xf32, #tpu.memory_space<hbm>>) target(%arg11 : memref<80x128xf32, #tpu.memory_space<vmem>>) target_semaphore(%arg15 : memref<!tpu.dma_semaphore, #tpu.memory_space<semaphore_mem>>)
        } else {
        }
      } else {
      }
      %scan3A_465 = arith.constant 0 : i32
      scf.yield %scan3A_465 : i32
    }
    %scan3A_20 = arith.constant 10 : i32
    %ge3A = arith.constant 1 : i32
    %ge3A_21 = arith.cmpi sge, %select_n3A, %ge3A : i32
    %sub3A = arith.constant 1 : i32
    %sub3A_22 = arith.subi %select_n3A, %sub3A : i32
    %jit3A_23 = arith.constant 4 : i32
    %eq3A = arith.constant 0 : i32
    %eq3A_24 = arith.cmpi eq, %jit3A_23, %eq3A : i32
    %jit3A_25 = arith.constant 1 : i32
    %select_n3A_26 = arith.select %eq3A_24, %jit3A_25, %jit3A_23 : i32
    %rem3A = arith.remsi %sub3A_22, %select_n3A_26 : i32
    %ne3A = arith.constant 0 : i32
    %ne3A_27 = arith.cmpi ne, %rem3A, %ne3A : i32
    %lt3A_28 = arith.constant 0 : i32
    %lt3A_29 = arith.cmpi slt, %rem3A, %lt3A_28 : i32
    %lt3A_30 = arith.constant 0 : i32
    %lt3A_31 = arith.cmpi slt, %select_n3A_26, %lt3A_30 : i32
    %ne3A_32 = arith.xori %lt3A_29, %lt3A_31 : i1
    %and3A = arith.andi %ne3A_32, %ne3A_27 : i1
    %add3A_33 = arith.addi %rem3A, %select_n3A_26 : i32
    %select_n3A_34 = arith.select %and3A, %add3A_33, %rem3A : i32
    %eq3A_35 = arith.constant 0 : i32
    %eq3A_36 = arith.cmpi eq, %select_n3A_34, %eq3A_35 : i32
    %and3A_37 = arith.andi %ge3A_21, %eq3A_36 : i1
    %convert_element_type3A_38 = arith.extui %and3A_37 : i1 to i32
    %cond3A_39 = arith.constant 0 : i32
    %cond3A_40 = arith.cmpi ne, %convert_element_type3A_38, %cond3A_39 : i32
    scf.if %cond3A_40 {
      %dma_wait3A = arith.constant 0 : i32
      %dma_wait3A_431 = arith.constant 0 : i32
      %dma_wait3A_432 = arith.constant 0 : i32
      %dma_wait3A_433 = tpu.memref_slice %arg4[%dma_wait3A, %dma_wait3A_431, %dma_wait3A_432] : memref<100000x2x128xf32, #tpu.memory_space<hbm>> -> memref<80x2x128xf32, #tpu.memory_space<hbm>>
      %dma_wait3A_434 = arith.constant 0 : i32
      %dma_wait3A_435 = arith.constant 0 : i32
      %dma_wait3A_436 = arith.constant 0 : i32
      %dma_wait3A_437 = tpu.memref_slice %arg4[%dma_wait3A_434, %dma_wait3A_435, %dma_wait3A_436] : memref<100000x2x128xf32, #tpu.memory_space<hbm>> -> memref<80x2x128xf32, #tpu.memory_space<hbm>>
      tpu.wait_dma2 semaphore(%arg17 : memref<!tpu.dma_semaphore, #tpu.memory_space<semaphore_mem>>) src(%arg5 : memref<80x2x128xf32, #tpu.memory_space<vmem>>) dst(%dma_wait3A_437 : memref<80x2x128xf32, #tpu.memory_space<hbm>>)
    } else {
    }
    %ge3A_41 = arith.constant 1 : i32
    %ge3A_42 = arith.cmpi sge, %select_n3A, %ge3A_41 : i32
    %sub3A_43 = arith.constant 1 : i32
    %sub3A_44 = arith.subi %select_n3A, %sub3A_43 : i32
    %jit3A_45 = arith.constant 4 : i32
    %eq3A_46 = arith.constant 0 : i32
    %eq3A_47 = arith.cmpi eq, %jit3A_45, %eq3A_46 : i32
    %jit3A_48 = arith.constant 1 : i32
    %select_n3A_49 = arith.select %eq3A_47, %jit3A_48, %jit3A_45 : i32
    %rem3A_50 = arith.remsi %sub3A_44, %select_n3A_49 : i32
    %ne3A_51 = arith.constant 0 : i32
    %ne3A_52 = arith.cmpi ne, %rem3A_50, %ne3A_51 : i32
    %lt3A_53 = arith.constant 0 : i32
    %lt3A_54 = arith.cmpi slt, %rem3A_50, %lt3A_53 : i32
    %lt3A_55 = arith.constant 0 : i32
    %lt3A_56 = arith.cmpi slt, %select_n3A_49, %lt3A_55 : i32
    %ne3A_57 = arith.xori %lt3A_54, %lt3A_56 : i1
    %and3A_58 = arith.andi %ne3A_57, %ne3A_52 : i1
    %add3A_59 = arith.addi %rem3A_50, %select_n3A_49 : i32
    %select_n3A_60 = arith.select %and3A_58, %add3A_59, %rem3A_50 : i32
    %eq3A_61 = arith.constant 1 : i32
    %eq3A_62 = arith.cmpi eq, %select_n3A_60, %eq3A_61 : i32
    %and3A_63 = arith.andi %ge3A_42, %eq3A_62 : i1
    %convert_element_type3A_64 = arith.extui %and3A_63 : i1 to i32
    %cond3A_65 = arith.constant 0 : i32
    %cond3A_66 = arith.cmpi ne, %convert_element_type3A_64, %cond3A_65 : i32
    scf.if %cond3A_66 {
      %dma_wait3A = arith.constant 0 : i32
      %dma_wait3A_431 = arith.constant 0 : i32
      %dma_wait3A_432 = arith.constant 0 : i32
      %dma_wait3A_433 = tpu.memref_slice %arg4[%dma_wait3A, %dma_wait3A_431, %dma_wait3A_432] : memref<100000x2x128xf32, #tpu.memory_space<hbm>> -> memref<80x2x128xf32, #tpu.memory_space<hbm>>
      %dma_wait3A_434 = arith.constant 0 : i32
      %dma_wait3A_435 = arith.constant 0 : i32
      %dma_wait3A_436 = arith.constant 0 : i32
      %dma_wait3A_437 = tpu.memref_slice %arg4[%dma_wait3A_434, %dma_wait3A_435, %dma_wait3A_436] : memref<100000x2x128xf32, #tpu.memory_space<hbm>> -> memref<80x2x128xf32, #tpu.memory_space<hbm>>
      tpu.wait_dma2 semaphore(%arg18 : memref<!tpu.dma_semaphore, #tpu.memory_space<semaphore_mem>>) src(%arg6 : memref<80x2x128xf32, #tpu.memory_space<vmem>>) dst(%dma_wait3A_437 : memref<80x2x128xf32, #tpu.memory_space<hbm>>)
    } else {
    }
    %ge3A_67 = arith.constant 1 : i32
    %ge3A_68 = arith.cmpi sge, %select_n3A, %ge3A_67 : i32
    %sub3A_69 = arith.constant 1 : i32
    %sub3A_70 = arith.subi %select_n3A, %sub3A_69 : i32
    %jit3A_71 = arith.constant 4 : i32
    %eq3A_72 = arith.constant 0 : i32
    %eq3A_73 = arith.cmpi eq, %jit3A_71, %eq3A_72 : i32
    %jit3A_74 = arith.constant 1 : i32
    %select_n3A_75 = arith.select %eq3A_73, %jit3A_74, %jit3A_71 : i32
    %rem3A_76 = arith.remsi %sub3A_70, %select_n3A_75 : i32
    %ne3A_77 = arith.constant 0 : i32
    %ne3A_78 = arith.cmpi ne, %rem3A_76, %ne3A_77 : i32
    %lt3A_79 = arith.constant 0 : i32
    %lt3A_80 = arith.cmpi slt, %rem3A_76, %lt3A_79 : i32
    %lt3A_81 = arith.constant 0 : i32
    %lt3A_82 = arith.cmpi slt, %select_n3A_75, %lt3A_81 : i32
    %ne3A_83 = arith.xori %lt3A_80, %lt3A_82 : i1
    %and3A_84 = arith.andi %ne3A_83, %ne3A_78 : i1
    %add3A_85 = arith.addi %rem3A_76, %select_n3A_75 : i32
    %select_n3A_86 = arith.select %and3A_84, %add3A_85, %rem3A_76 : i32
    %eq3A_87 = arith.constant 2 : i32
    %eq3A_88 = arith.cmpi eq, %select_n3A_86, %eq3A_87 : i32
    %and3A_89 = arith.andi %ge3A_68, %eq3A_88 : i1
    %convert_element_type3A_90 = arith.extui %and3A_89 : i1 to i32
    %cond3A_91 = arith.constant 0 : i32
    %cond3A_92 = arith.cmpi ne, %convert_element_type3A_90, %cond3A_91 : i32
    scf.if %cond3A_92 {
      %dma_wait3A = arith.constant 0 : i32
      %dma_wait3A_431 = arith.constant 0 : i32
      %dma_wait3A_432 = arith.constant 0 : i32
      %dma_wait3A_433 = tpu.memref_slice %arg4[%dma_wait3A, %dma_wait3A_431, %dma_wait3A_432] : memref<100000x2x128xf32, #tpu.memory_space<hbm>> -> memref<80x2x128xf32, #tpu.memory_space<hbm>>
      %dma_wait3A_434 = arith.constant 0 : i32
      %dma_wait3A_435 = arith.constant 0 : i32
      %dma_wait3A_436 = arith.constant 0 : i32
      %dma_wait3A_437 = tpu.memref_slice %arg4[%dma_wait3A_434, %dma_wait3A_435, %dma_wait3A_436] : memref<100000x2x128xf32, #tpu.memory_space<hbm>> -> memref<80x2x128xf32, #tpu.memory_space<hbm>>
      tpu.wait_dma2 semaphore(%arg19 : memref<!tpu.dma_semaphore, #tpu.memory_space<semaphore_mem>>) src(%arg7 : memref<80x2x128xf32, #tpu.memory_space<vmem>>) dst(%dma_wait3A_437 : memref<80x2x128xf32, #tpu.memory_space<hbm>>)
    } else {
    }
    %ge3A_93 = arith.constant 1 : i32
    %ge3A_94 = arith.cmpi sge, %select_n3A, %ge3A_93 : i32
    %sub3A_95 = arith.constant 1 : i32
    %sub3A_96 = arith.subi %select_n3A, %sub3A_95 : i32
    %jit3A_97 = arith.constant 4 : i32
    %eq3A_98 = arith.constant 0 : i32
    %eq3A_99 = arith.cmpi eq, %jit3A_97, %eq3A_98 : i32
    %jit3A_100 = arith.constant 1 : i32
    %select_n3A_101 = arith.select %eq3A_99, %jit3A_100, %jit3A_97 : i32
    %rem3A_102 = arith.remsi %sub3A_96, %select_n3A_101 : i32
    %ne3A_103 = arith.constant 0 : i32
    %ne3A_104 = arith.cmpi ne, %rem3A_102, %ne3A_103 : i32
    %lt3A_105 = arith.constant 0 : i32
    %lt3A_106 = arith.cmpi slt, %rem3A_102, %lt3A_105 : i32
    %lt3A_107 = arith.constant 0 : i32
    %lt3A_108 = arith.cmpi slt, %select_n3A_101, %lt3A_107 : i32
    %ne3A_109 = arith.xori %lt3A_106, %lt3A_108 : i1
    %and3A_110 = arith.andi %ne3A_109, %ne3A_104 : i1
    %add3A_111 = arith.addi %rem3A_102, %select_n3A_101 : i32
    %select_n3A_112 = arith.select %and3A_110, %add3A_111, %rem3A_102 : i32
    %eq3A_113 = arith.constant 3 : i32
    %eq3A_114 = arith.cmpi eq, %select_n3A_112, %eq3A_113 : i32
    %and3A_115 = arith.andi %ge3A_94, %eq3A_114 : i1
    %convert_element_type3A_116 = arith.extui %and3A_115 : i1 to i32
    %cond3A_117 = arith.constant 0 : i32
    %cond3A_118 = arith.cmpi ne, %convert_element_type3A_116, %cond3A_117 : i32
    scf.if %cond3A_118 {
      %dma_wait3A = arith.constant 0 : i32
      %dma_wait3A_431 = arith.constant 0 : i32
      %dma_wait3A_432 = arith.constant 0 : i32
      %dma_wait3A_433 = tpu.memref_slice %arg4[%dma_wait3A, %dma_wait3A_431, %dma_wait3A_432] : memref<100000x2x128xf32, #tpu.memory_space<hbm>> -> memref<80x2x128xf32, #tpu.memory_space<hbm>>
      %dma_wait3A_434 = arith.constant 0 : i32
      %dma_wait3A_435 = arith.constant 0 : i32
      %dma_wait3A_436 = arith.constant 0 : i32
      %dma_wait3A_437 = tpu.memref_slice %arg4[%dma_wait3A_434, %dma_wait3A_435, %dma_wait3A_436] : memref<100000x2x128xf32, #tpu.memory_space<hbm>> -> memref<80x2x128xf32, #tpu.memory_space<hbm>>
      tpu.wait_dma2 semaphore(%arg20 : memref<!tpu.dma_semaphore, #tpu.memory_space<semaphore_mem>>) src(%arg8 : memref<80x2x128xf32, #tpu.memory_space<vmem>>) dst(%dma_wait3A_437 : memref<80x2x128xf32, #tpu.memory_space<hbm>>)
    } else {
    }
    %ge3A_119 = arith.constant 2 : i32
    %ge3A_120 = arith.cmpi sge, %select_n3A, %ge3A_119 : i32
    %sub3A_121 = arith.constant 2 : i32
    %sub3A_122 = arith.subi %select_n3A, %sub3A_121 : i32
    %jit3A_123 = arith.constant 4 : i32
    %eq3A_124 = arith.constant 0 : i32
    %eq3A_125 = arith.cmpi eq, %jit3A_123, %eq3A_124 : i32
    %jit3A_126 = arith.constant 1 : i32
    %select_n3A_127 = arith.select %eq3A_125, %jit3A_126, %jit3A_123 : i32
    %rem3A_128 = arith.remsi %sub3A_122, %select_n3A_127 : i32
    %ne3A_129 = arith.constant 0 : i32
    %ne3A_130 = arith.cmpi ne, %rem3A_128, %ne3A_129 : i32
    %lt3A_131 = arith.constant 0 : i32
    %lt3A_132 = arith.cmpi slt, %rem3A_128, %lt3A_131 : i32
    %lt3A_133 = arith.constant 0 : i32
    %lt3A_134 = arith.cmpi slt, %select_n3A_127, %lt3A_133 : i32
    %ne3A_135 = arith.xori %lt3A_132, %lt3A_134 : i1
    %and3A_136 = arith.andi %ne3A_135, %ne3A_130 : i1
    %add3A_137 = arith.addi %rem3A_128, %select_n3A_127 : i32
    %select_n3A_138 = arith.select %and3A_136, %add3A_137, %rem3A_128 : i32
    %eq3A_139 = arith.constant 0 : i32
    %eq3A_140 = arith.cmpi eq, %select_n3A_138, %eq3A_139 : i32
    %and3A_141 = arith.andi %ge3A_120, %eq3A_140 : i1
    %convert_element_type3A_142 = arith.extui %and3A_141 : i1 to i32
    %cond3A_143 = arith.constant 0 : i32
    %cond3A_144 = arith.cmpi ne, %convert_element_type3A_142, %cond3A_143 : i32
    scf.if %cond3A_144 {
      %dma_wait3A = arith.constant 0 : i32
      %dma_wait3A_431 = arith.constant 0 : i32
      %dma_wait3A_432 = arith.constant 0 : i32
      %dma_wait3A_433 = tpu.memref_slice %arg4[%dma_wait3A, %dma_wait3A_431, %dma_wait3A_432] : memref<100000x2x128xf32, #tpu.memory_space<hbm>> -> memref<80x2x128xf32, #tpu.memory_space<hbm>>
      %dma_wait3A_434 = arith.constant 0 : i32
      %dma_wait3A_435 = arith.constant 0 : i32
      %dma_wait3A_436 = arith.constant 0 : i32
      %dma_wait3A_437 = tpu.memref_slice %arg4[%dma_wait3A_434, %dma_wait3A_435, %dma_wait3A_436] : memref<100000x2x128xf32, #tpu.memory_space<hbm>> -> memref<80x2x128xf32, #tpu.memory_space<hbm>>
      tpu.wait_dma2 semaphore(%arg17 : memref<!tpu.dma_semaphore, #tpu.memory_space<semaphore_mem>>) src(%arg5 : memref<80x2x128xf32, #tpu.memory_space<vmem>>) dst(%dma_wait3A_437 : memref<80x2x128xf32, #tpu.memory_space<hbm>>)
    } else {
    }
    %ge3A_145 = arith.constant 2 : i32
    %ge3A_146 = arith.cmpi sge, %select_n3A, %ge3A_145 : i32
    %sub3A_147 = arith.constant 2 : i32
    %sub3A_148 = arith.subi %select_n3A, %sub3A_147 : i32
    %jit3A_149 = arith.constant 4 : i32
    %eq3A_150 = arith.constant 0 : i32
    %eq3A_151 = arith.cmpi eq, %jit3A_149, %eq3A_150 : i32
    %jit3A_152 = arith.constant 1 : i32
    %select_n3A_153 = arith.select %eq3A_151, %jit3A_152, %jit3A_149 : i32
    %rem3A_154 = arith.remsi %sub3A_148, %select_n3A_153 : i32
    %ne3A_155 = arith.constant 0 : i32
    %ne3A_156 = arith.cmpi ne, %rem3A_154, %ne3A_155 : i32
    %lt3A_157 = arith.constant 0 : i32
    %lt3A_158 = arith.cmpi slt, %rem3A_154, %lt3A_157 : i32
    %lt3A_159 = arith.constant 0 : i32
    %lt3A_160 = arith.cmpi slt, %select_n3A_153, %lt3A_159 : i32
    %ne3A_161 = arith.xori %lt3A_158, %lt3A_160 : i1
    %and3A_162 = arith.andi %ne3A_161, %ne3A_156 : i1
    %add3A_163 = arith.addi %rem3A_154, %select_n3A_153 : i32
    %select_n3A_164 = arith.select %and3A_162, %add3A_163, %rem3A_154 : i32
    %eq3A_165 = arith.constant 1 : i32
    %eq3A_166 = arith.cmpi eq, %select_n3A_164, %eq3A_165 : i32
    %and3A_167 = arith.andi %ge3A_146, %eq3A_166 : i1
    %convert_element_type3A_168 = arith.extui %and3A_167 : i1 to i32
    %cond3A_169 = arith.constant 0 : i32
    %cond3A_170 = arith.cmpi ne, %convert_element_type3A_168, %cond3A_169 : i32
    scf.if %cond3A_170 {
      %dma_wait3A = arith.constant 0 : i32
      %dma_wait3A_431 = arith.constant 0 : i32
      %dma_wait3A_432 = arith.constant 0 : i32
      %dma_wait3A_433 = tpu.memref_slice %arg4[%dma_wait3A, %dma_wait3A_431, %dma_wait3A_432] : memref<100000x2x128xf32, #tpu.memory_space<hbm>> -> memref<80x2x128xf32, #tpu.memory_space<hbm>>
      %dma_wait3A_434 = arith.constant 0 : i32
      %dma_wait3A_435 = arith.constant 0 : i32
      %dma_wait3A_436 = arith.constant 0 : i32
      %dma_wait3A_437 = tpu.memref_slice %arg4[%dma_wait3A_434, %dma_wait3A_435, %dma_wait3A_436] : memref<100000x2x128xf32, #tpu.memory_space<hbm>> -> memref<80x2x128xf32, #tpu.memory_space<hbm>>
      tpu.wait_dma2 semaphore(%arg18 : memref<!tpu.dma_semaphore, #tpu.memory_space<semaphore_mem>>) src(%arg6 : memref<80x2x128xf32, #tpu.memory_space<vmem>>) dst(%dma_wait3A_437 : memref<80x2x128xf32, #tpu.memory_space<hbm>>)
    } else {
    }
    %ge3A_171 = arith.constant 2 : i32
    %ge3A_172 = arith.cmpi sge, %select_n3A, %ge3A_171 : i32
    %sub3A_173 = arith.constant 2 : i32
    %sub3A_174 = arith.subi %select_n3A, %sub3A_173 : i32
    %jit3A_175 = arith.constant 4 : i32
    %eq3A_176 = arith.constant 0 : i32
    %eq3A_177 = arith.cmpi eq, %jit3A_175, %eq3A_176 : i32
    %jit3A_178 = arith.constant 1 : i32
    %select_n3A_179 = arith.select %eq3A_177, %jit3A_178, %jit3A_175 : i32
    %rem3A_180 = arith.remsi %sub3A_174, %select_n3A_179 : i32
    %ne3A_181 = arith.constant 0 : i32
    %ne3A_182 = arith.cmpi ne, %rem3A_180, %ne3A_181 : i32
    %lt3A_183 = arith.constant 0 : i32
    %lt3A_184 = arith.cmpi slt, %rem3A_180, %lt3A_183 : i32
    %lt3A_185 = arith.constant 0 : i32
    %lt3A_186 = arith.cmpi slt, %select_n3A_179, %lt3A_185 : i32
    %ne3A_187 = arith.xori %lt3A_184, %lt3A_186 : i1
    %and3A_188 = arith.andi %ne3A_187, %ne3A_182 : i1
    %add3A_189 = arith.addi %rem3A_180, %select_n3A_179 : i32
    %select_n3A_190 = arith.select %and3A_188, %add3A_189, %rem3A_180 : i32
    %eq3A_191 = arith.constant 2 : i32
    %eq3A_192 = arith.cmpi eq, %select_n3A_190, %eq3A_191 : i32
    %and3A_193 = arith.andi %ge3A_172, %eq3A_192 : i1
    %convert_element_type3A_194 = arith.extui %and3A_193 : i1 to i32
    %cond3A_195 = arith.constant 0 : i32
    %cond3A_196 = arith.cmpi ne, %convert_element_type3A_194, %cond3A_195 : i32
    scf.if %cond3A_196 {
      %dma_wait3A = arith.constant 0 : i32
      %dma_wait3A_431 = arith.constant 0 : i32
      %dma_wait3A_432 = arith.constant 0 : i32
      %dma_wait3A_433 = tpu.memref_slice %arg4[%dma_wait3A, %dma_wait3A_431, %dma_wait3A_432] : memref<100000x2x128xf32, #tpu.memory_space<hbm>> -> memref<80x2x128xf32, #tpu.memory_space<hbm>>
      %dma_wait3A_434 = arith.constant 0 : i32
      %dma_wait3A_435 = arith.constant 0 : i32
      %dma_wait3A_436 = arith.constant 0 : i32
      %dma_wait3A_437 = tpu.memref_slice %arg4[%dma_wait3A_434, %dma_wait3A_435, %dma_wait3A_436] : memref<100000x2x128xf32, #tpu.memory_space<hbm>> -> memref<80x2x128xf32, #tpu.memory_space<hbm>>
      tpu.wait_dma2 semaphore(%arg19 : memref<!tpu.dma_semaphore, #tpu.memory_space<semaphore_mem>>) src(%arg7 : memref<80x2x128xf32, #tpu.memory_space<vmem>>) dst(%dma_wait3A_437 : memref<80x2x128xf32, #tpu.memory_space<hbm>>)
    } else {
    }
    %ge3A_197 = arith.constant 2 : i32
    %ge3A_198 = arith.cmpi sge, %select_n3A, %ge3A_197 : i32
    %sub3A_199 = arith.constant 2 : i32
    %sub3A_200 = arith.subi %select_n3A, %sub3A_199 : i32
    %jit3A_201 = arith.constant 4 : i32
    %eq3A_202 = arith.constant 0 : i32
    %eq3A_203 = arith.cmpi eq, %jit3A_201, %eq3A_202 : i32
    %jit3A_204 = arith.constant 1 : i32
    %select_n3A_205 = arith.select %eq3A_203, %jit3A_204, %jit3A_201 : i32
    %rem3A_206 = arith.remsi %sub3A_200, %select_n3A_205 : i32
    %ne3A_207 = arith.constant 0 : i32
    %ne3A_208 = arith.cmpi ne, %rem3A_206, %ne3A_207 : i32
    %lt3A_209 = arith.constant 0 : i32
    %lt3A_210 = arith.cmpi slt, %rem3A_206, %lt3A_209 : i32
    %lt3A_211 = arith.constant 0 : i32
    %lt3A_212 = arith.cmpi slt, %select_n3A_205, %lt3A_211 : i32
    %ne3A_213 = arith.xori %lt3A_210, %lt3A_212 : i1
    %and3A_214 = arith.andi %ne3A_213, %ne3A_208 : i1
    %add3A_215 = arith.addi %rem3A_206, %select_n3A_205 : i32
    %select_n3A_216 = arith.select %and3A_214, %add3A_215, %rem3A_206 : i32
    %eq3A_217 = arith.constant 3 : i32
    %eq3A_218 = arith.cmpi eq, %select_n3A_216, %eq3A_217 : i32
    %and3A_219 = arith.andi %ge3A_198, %eq3A_218 : i1
    %convert_element_type3A_220 = arith.extui %and3A_219 : i1 to i32
    %cond3A_221 = arith.constant 0 : i32
    %cond3A_222 = arith.cmpi ne, %convert_element_type3A_220, %cond3A_221 : i32
    scf.if %cond3A_222 {
      %dma_wait3A = arith.constant 0 : i32
      %dma_wait3A_431 = arith.constant 0 : i32
      %dma_wait3A_432 = arith.constant 0 : i32
      %dma_wait3A_433 = tpu.memref_slice %arg4[%dma_wait3A, %dma_wait3A_431, %dma_wait3A_432] : memref<100000x2x128xf32, #tpu.memory_space<hbm>> -> memref<80x2x128xf32, #tpu.memory_space<hbm>>
      %dma_wait3A_434 = arith.constant 0 : i32
      %dma_wait3A_435 = arith.constant 0 : i32
      %dma_wait3A_436 = arith.constant 0 : i32
      %dma_wait3A_437 = tpu.memref_slice %arg4[%dma_wait3A_434, %dma_wait3A_435, %dma_wait3A_436] : memref<100000x2x128xf32, #tpu.memory_space<hbm>> -> memref<80x2x128xf32, #tpu.memory_space<hbm>>
      tpu.wait_dma2 semaphore(%arg20 : memref<!tpu.dma_semaphore, #tpu.memory_space<semaphore_mem>>) src(%arg8 : memref<80x2x128xf32, #tpu.memory_space<vmem>>) dst(%dma_wait3A_437 : memref<80x2x128xf32, #tpu.memory_space<hbm>>)
    } else {
    }
    %ge3A_223 = arith.constant 3 : i32
    %ge3A_224 = arith.cmpi sge, %select_n3A, %ge3A_223 : i32
    %sub3A_225 = arith.constant 3 : i32
    %sub3A_226 = arith.subi %select_n3A, %sub3A_225 : i32
    %jit3A_227 = arith.constant 4 : i32
    %eq3A_228 = arith.constant 0 : i32
    %eq3A_229 = arith.cmpi eq, %jit3A_227, %eq3A_228 : i32
    %jit3A_230 = arith.constant 1 : i32
    %select_n3A_231 = arith.select %eq3A_229, %jit3A_230, %jit3A_227 : i32
    %rem3A_232 = arith.remsi %sub3A_226, %select_n3A_231 : i32
    %ne3A_233 = arith.constant 0 : i32
    %ne3A_234 = arith.cmpi ne, %rem3A_232, %ne3A_233 : i32
    %lt3A_235 = arith.constant 0 : i32
    %lt3A_236 = arith.cmpi slt, %rem3A_232, %lt3A_235 : i32
    %lt3A_237 = arith.constant 0 : i32
    %lt3A_238 = arith.cmpi slt, %select_n3A_231, %lt3A_237 : i32
    %ne3A_239 = arith.xori %lt3A_236, %lt3A_238 : i1
    %and3A_240 = arith.andi %ne3A_239, %ne3A_234 : i1
    %add3A_241 = arith.addi %rem3A_232, %select_n3A_231 : i32
    %select_n3A_242 = arith.select %and3A_240, %add3A_241, %rem3A_232 : i32
    %eq3A_243 = arith.constant 0 : i32
    %eq3A_244 = arith.cmpi eq, %select_n3A_242, %eq3A_243 : i32
    %and3A_245 = arith.andi %ge3A_224, %eq3A_244 : i1
    %convert_element_type3A_246 = arith.extui %and3A_245 : i1 to i32
    %cond3A_247 = arith.constant 0 : i32
    %cond3A_248 = arith.cmpi ne, %convert_element_type3A_246, %cond3A_247 : i32
    scf.if %cond3A_248 {
      %dma_wait3A = arith.constant 0 : i32
      %dma_wait3A_431 = arith.constant 0 : i32
      %dma_wait3A_432 = arith.constant 0 : i32
      %dma_wait3A_433 = tpu.memref_slice %arg4[%dma_wait3A, %dma_wait3A_431, %dma_wait3A_432] : memref<100000x2x128xf32, #tpu.memory_space<hbm>> -> memref<80x2x128xf32, #tpu.memory_space<hbm>>
      %dma_wait3A_434 = arith.constant 0 : i32
      %dma_wait3A_435 = arith.constant 0 : i32
      %dma_wait3A_436 = arith.constant 0 : i32
      %dma_wait3A_437 = tpu.memref_slice %arg4[%dma_wait3A_434, %dma_wait3A_435, %dma_wait3A_436] : memref<100000x2x128xf32, #tpu.memory_space<hbm>> -> memref<80x2x128xf32, #tpu.memory_space<hbm>>
      tpu.wait_dma2 semaphore(%arg17 : memref<!tpu.dma_semaphore, #tpu.memory_space<semaphore_mem>>) src(%arg5 : memref<80x2x128xf32, #tpu.memory_space<vmem>>) dst(%dma_wait3A_437 : memref<80x2x128xf32, #tpu.memory_space<hbm>>)
    } else {
    }
    %ge3A_249 = arith.constant 3 : i32
    %ge3A_250 = arith.cmpi sge, %select_n3A, %ge3A_249 : i32
    %sub3A_251 = arith.constant 3 : i32
    %sub3A_252 = arith.subi %select_n3A, %sub3A_251 : i32
    %jit3A_253 = arith.constant 4 : i32
    %eq3A_254 = arith.constant 0 : i32
    %eq3A_255 = arith.cmpi eq, %jit3A_253, %eq3A_254 : i32
    %jit3A_256 = arith.constant 1 : i32
    %select_n3A_257 = arith.select %eq3A_255, %jit3A_256, %jit3A_253 : i32
    %rem3A_258 = arith.remsi %sub3A_252, %select_n3A_257 : i32
    %ne3A_259 = arith.constant 0 : i32
    %ne3A_260 = arith.cmpi ne, %rem3A_258, %ne3A_259 : i32
    %lt3A_261 = arith.constant 0 : i32
    %lt3A_262 = arith.cmpi slt, %rem3A_258, %lt3A_261 : i32
    %lt3A_263 = arith.constant 0 : i32
    %lt3A_264 = arith.cmpi slt, %select_n3A_257, %lt3A_263 : i32
    %ne3A_265 = arith.xori %lt3A_262, %lt3A_264 : i1
    %and3A_266 = arith.andi %ne3A_265, %ne3A_260 : i1
    %add3A_267 = arith.addi %rem3A_258, %select_n3A_257 : i32
    %select_n3A_268 = arith.select %and3A_266, %add3A_267, %rem3A_258 : i32
    %eq3A_269 = arith.constant 1 : i32
    %eq3A_270 = arith.cmpi eq, %select_n3A_268, %eq3A_269 : i32
    %and3A_271 = arith.andi %ge3A_250, %eq3A_270 : i1
    %convert_element_type3A_272 = arith.extui %and3A_271 : i1 to i32
    %cond3A_273 = arith.constant 0 : i32
    %cond3A_274 = arith.cmpi ne, %convert_element_type3A_272, %cond3A_273 : i32
    scf.if %cond3A_274 {
      %dma_wait3A = arith.constant 0 : i32
      %dma_wait3A_431 = arith.constant 0 : i32
      %dma_wait3A_432 = arith.constant 0 : i32
      %dma_wait3A_433 = tpu.memref_slice %arg4[%dma_wait3A, %dma_wait3A_431, %dma_wait3A_432] : memref<100000x2x128xf32, #tpu.memory_space<hbm>> -> memref<80x2x128xf32, #tpu.memory_space<hbm>>
      %dma_wait3A_434 = arith.constant 0 : i32
      %dma_wait3A_435 = arith.constant 0 : i32
      %dma_wait3A_436 = arith.constant 0 : i32
      %dma_wait3A_437 = tpu.memref_slice %arg4[%dma_wait3A_434, %dma_wait3A_435, %dma_wait3A_436] : memref<100000x2x128xf32, #tpu.memory_space<hbm>> -> memref<80x2x128xf32, #tpu.memory_space<hbm>>
      tpu.wait_dma2 semaphore(%arg18 : memref<!tpu.dma_semaphore, #tpu.memory_space<semaphore_mem>>) src(%arg6 : memref<80x2x128xf32, #tpu.memory_space<vmem>>) dst(%dma_wait3A_437 : memref<80x2x128xf32, #tpu.memory_space<hbm>>)
    } else {
    }
    %ge3A_275 = arith.constant 3 : i32
    %ge3A_276 = arith.cmpi sge, %select_n3A, %ge3A_275 : i32
    %sub3A_277 = arith.constant 3 : i32
    %sub3A_278 = arith.subi %select_n3A, %sub3A_277 : i32
    %jit3A_279 = arith.constant 4 : i32
    %eq3A_280 = arith.constant 0 : i32
    %eq3A_281 = arith.cmpi eq, %jit3A_279, %eq3A_280 : i32
    %jit3A_282 = arith.constant 1 : i32
    %select_n3A_283 = arith.select %eq3A_281, %jit3A_282, %jit3A_279 : i32
    %rem3A_284 = arith.remsi %sub3A_278, %select_n3A_283 : i32
    %ne3A_285 = arith.constant 0 : i32
    %ne3A_286 = arith.cmpi ne, %rem3A_284, %ne3A_285 : i32
    %lt3A_287 = arith.constant 0 : i32
    %lt3A_288 = arith.cmpi slt, %rem3A_284, %lt3A_287 : i32
    %lt3A_289 = arith.constant 0 : i32
    %lt3A_290 = arith.cmpi slt, %select_n3A_283, %lt3A_289 : i32
    %ne3A_291 = arith.xori %lt3A_288, %lt3A_290 : i1
    %and3A_292 = arith.andi %ne3A_291, %ne3A_286 : i1
    %add3A_293 = arith.addi %rem3A_284, %select_n3A_283 : i32
    %select_n3A_294 = arith.select %and3A_292, %add3A_293, %rem3A_284 : i32
    %eq3A_295 = arith.constant 2 : i32
    %eq3A_296 = arith.cmpi eq, %select_n3A_294, %eq3A_295 : i32
    %and3A_297 = arith.andi %ge3A_276, %eq3A_296 : i1
    %convert_element_type3A_298 = arith.extui %and3A_297 : i1 to i32
    %cond3A_299 = arith.constant 0 : i32
    %cond3A_300 = arith.cmpi ne, %convert_element_type3A_298, %cond3A_299 : i32
    scf.if %cond3A_300 {
      %dma_wait3A = arith.constant 0 : i32
      %dma_wait3A_431 = arith.constant 0 : i32
      %dma_wait3A_432 = arith.constant 0 : i32
      %dma_wait3A_433 = tpu.memref_slice %arg4[%dma_wait3A, %dma_wait3A_431, %dma_wait3A_432] : memref<100000x2x128xf32, #tpu.memory_space<hbm>> -> memref<80x2x128xf32, #tpu.memory_space<hbm>>
      %dma_wait3A_434 = arith.constant 0 : i32
      %dma_wait3A_435 = arith.constant 0 : i32
      %dma_wait3A_436 = arith.constant 0 : i32
      %dma_wait3A_437 = tpu.memref_slice %arg4[%dma_wait3A_434, %dma_wait3A_435, %dma_wait3A_436] : memref<100000x2x128xf32, #tpu.memory_space<hbm>> -> memref<80x2x128xf32, #tpu.memory_space<hbm>>
      tpu.wait_dma2 semaphore(%arg19 : memref<!tpu.dma_semaphore, #tpu.memory_space<semaphore_mem>>) src(%arg7 : memref<80x2x128xf32, #tpu.memory_space<vmem>>) dst(%dma_wait3A_437 : memref<80x2x128xf32, #tpu.memory_space<hbm>>)
    } else {
    }
    %ge3A_301 = arith.constant 3 : i32
    %ge3A_302 = arith.cmpi sge, %select_n3A, %ge3A_301 : i32
    %sub3A_303 = arith.constant 3 : i32
    %sub3A_304 = arith.subi %select_n3A, %sub3A_303 : i32
    %jit3A_305 = arith.constant 4 : i32
    %eq3A_306 = arith.constant 0 : i32
    %eq3A_307 = arith.cmpi eq, %jit3A_305, %eq3A_306 : i32
    %jit3A_308 = arith.constant 1 : i32
    %select_n3A_309 = arith.select %eq3A_307, %jit3A_308, %jit3A_305 : i32
    %rem3A_310 = arith.remsi %sub3A_304, %select_n3A_309 : i32
    %ne3A_311 = arith.constant 0 : i32
    %ne3A_312 = arith.cmpi ne, %rem3A_310, %ne3A_311 : i32
    %lt3A_313 = arith.constant 0 : i32
    %lt3A_314 = arith.cmpi slt, %rem3A_310, %lt3A_313 : i32
    %lt3A_315 = arith.constant 0 : i32
    %lt3A_316 = arith.cmpi slt, %select_n3A_309, %lt3A_315 : i32
    %ne3A_317 = arith.xori %lt3A_314, %lt3A_316 : i1
    %and3A_318 = arith.andi %ne3A_317, %ne3A_312 : i1
    %add3A_319 = arith.addi %rem3A_310, %select_n3A_309 : i32
    %select_n3A_320 = arith.select %and3A_318, %add3A_319, %rem3A_310 : i32
    %eq3A_321 = arith.constant 3 : i32
    %eq3A_322 = arith.cmpi eq, %select_n3A_320, %eq3A_321 : i32
    %and3A_323 = arith.andi %ge3A_302, %eq3A_322 : i1
    %convert_element_type3A_324 = arith.extui %and3A_323 : i1 to i32
    %cond3A_325 = arith.constant 0 : i32
    %cond3A_326 = arith.cmpi ne, %convert_element_type3A_324, %cond3A_325 : i32
    scf.if %cond3A_326 {
      %dma_wait3A = arith.constant 0 : i32
      %dma_wait3A_431 = arith.constant 0 : i32
      %dma_wait3A_432 = arith.constant 0 : i32
      %dma_wait3A_433 = tpu.memref_slice %arg4[%dma_wait3A, %dma_wait3A_431, %dma_wait3A_432] : memref<100000x2x128xf32, #tpu.memory_space<hbm>> -> memref<80x2x128xf32, #tpu.memory_space<hbm>>
      %dma_wait3A_434 = arith.constant 0 : i32
      %dma_wait3A_435 = arith.constant 0 : i32
      %dma_wait3A_436 = arith.constant 0 : i32
      %dma_wait3A_437 = tpu.memref_slice %arg4[%dma_wait3A_434, %dma_wait3A_435, %dma_wait3A_436] : memref<100000x2x128xf32, #tpu.memory_space<hbm>> -> memref<80x2x128xf32, #tpu.memory_space<hbm>>
      tpu.wait_dma2 semaphore(%arg20 : memref<!tpu.dma_semaphore, #tpu.memory_space<semaphore_mem>>) src(%arg8 : memref<80x2x128xf32, #tpu.memory_space<vmem>>) dst(%dma_wait3A_437 : memref<80x2x128xf32, #tpu.memory_space<hbm>>)
    } else {
    }
    %ge3A_327 = arith.constant 4 : i32
    %ge3A_328 = arith.cmpi sge, %select_n3A, %ge3A_327 : i32
    %sub3A_329 = arith.constant 4 : i32
    %sub3A_330 = arith.subi %select_n3A, %sub3A_329 : i32
    %jit3A_331 = arith.constant 4 : i32
    %eq3A_332 = arith.constant 0 : i32
    %eq3A_333 = arith.cmpi eq, %jit3A_331, %eq3A_332 : i32
    %jit3A_334 = arith.constant 1 : i32
    %select_n3A_335 = arith.select %eq3A_333, %jit3A_334, %jit3A_331 : i32
    %rem3A_336 = arith.remsi %sub3A_330, %select_n3A_335 : i32
    %ne3A_337 = arith.constant 0 : i32
    %ne3A_338 = arith.cmpi ne, %rem3A_336, %ne3A_337 : i32
    %lt3A_339 = arith.constant 0 : i32
    %lt3A_340 = arith.cmpi slt, %rem3A_336, %lt3A_339 : i32
    %lt3A_341 = arith.constant 0 : i32
    %lt3A_342 = arith.cmpi slt, %select_n3A_335, %lt3A_341 : i32
    %ne3A_343 = arith.xori %lt3A_340, %lt3A_342 : i1
    %and3A_344 = arith.andi %ne3A_343, %ne3A_338 : i1
    %add3A_345 = arith.addi %rem3A_336, %select_n3A_335 : i32
    %select_n3A_346 = arith.select %and3A_344, %add3A_345, %rem3A_336 : i32
    %eq3A_347 = arith.constant 0 : i32
    %eq3A_348 = arith.cmpi eq, %select_n3A_346, %eq3A_347 : i32
    %and3A_349 = arith.andi %ge3A_328, %eq3A_348 : i1
    %convert_element_type3A_350 = arith.extui %and3A_349 : i1 to i32
    %cond3A_351 = arith.constant 0 : i32
    %cond3A_352 = arith.cmpi ne, %convert_element_type3A_350, %cond3A_351 : i32
    scf.if %cond3A_352 {
      %dma_wait3A = arith.constant 0 : i32
      %dma_wait3A_431 = arith.constant 0 : i32
      %dma_wait3A_432 = arith.constant 0 : i32
      %dma_wait3A_433 = tpu.memref_slice %arg4[%dma_wait3A, %dma_wait3A_431, %dma_wait3A_432] : memref<100000x2x128xf32, #tpu.memory_space<hbm>> -> memref<80x2x128xf32, #tpu.memory_space<hbm>>
      %dma_wait3A_434 = arith.constant 0 : i32
      %dma_wait3A_435 = arith.constant 0 : i32
      %dma_wait3A_436 = arith.constant 0 : i32
      %dma_wait3A_437 = tpu.memref_slice %arg4[%dma_wait3A_434, %dma_wait3A_435, %dma_wait3A_436] : memref<100000x2x128xf32, #tpu.memory_space<hbm>> -> memref<80x2x128xf32, #tpu.memory_space<hbm>>
      tpu.wait_dma2 semaphore(%arg17 : memref<!tpu.dma_semaphore, #tpu.memory_space<semaphore_mem>>) src(%arg5 : memref<80x2x128xf32, #tpu.memory_space<vmem>>) dst(%dma_wait3A_437 : memref<80x2x128xf32, #tpu.memory_space<hbm>>)
    } else {
    }
    %ge3A_353 = arith.constant 4 : i32
    %ge3A_354 = arith.cmpi sge, %select_n3A, %ge3A_353 : i32
    %sub3A_355 = arith.constant 4 : i32
    %sub3A_356 = arith.subi %select_n3A, %sub3A_355 : i32
    %jit3A_357 = arith.constant 4 : i32
    %eq3A_358 = arith.constant 0 : i32
    %eq3A_359 = arith.cmpi eq, %jit3A_357, %eq3A_358 : i32
    %jit3A_360 = arith.constant 1 : i32
    %select_n3A_361 = arith.select %eq3A_359, %jit3A_360, %jit3A_357 : i32
    %rem3A_362 = arith.remsi %sub3A_356, %select_n3A_361 : i32
    %ne3A_363 = arith.constant 0 : i32
    %ne3A_364 = arith.cmpi ne, %rem3A_362, %ne3A_363 : i32
    %lt3A_365 = arith.constant 0 : i32
    %lt3A_366 = arith.cmpi slt, %rem3A_362, %lt3A_365 : i32
    %lt3A_367 = arith.constant 0 : i32
    %lt3A_368 = arith.cmpi slt, %select_n3A_361, %lt3A_367 : i32
    %ne3A_369 = arith.xori %lt3A_366, %lt3A_368 : i1
    %and3A_370 = arith.andi %ne3A_369, %ne3A_364 : i1
    %add3A_371 = arith.addi %rem3A_362, %select_n3A_361 : i32
    %select_n3A_372 = arith.select %and3A_370, %add3A_371, %rem3A_362 : i32
    %eq3A_373 = arith.constant 1 : i32
    %eq3A_374 = arith.cmpi eq, %select_n3A_372, %eq3A_373 : i32
    %and3A_375 = arith.andi %ge3A_354, %eq3A_374 : i1
    %convert_element_type3A_376 = arith.extui %and3A_375 : i1 to i32
    %cond3A_377 = arith.constant 0 : i32
    %cond3A_378 = arith.cmpi ne, %convert_element_type3A_376, %cond3A_377 : i32
    scf.if %cond3A_378 {
      %dma_wait3A = arith.constant 0 : i32
      %dma_wait3A_431 = arith.constant 0 : i32
      %dma_wait3A_432 = arith.constant 0 : i32
      %dma_wait3A_433 = tpu.memref_slice %arg4[%dma_wait3A, %dma_wait3A_431, %dma_wait3A_432] : memref<100000x2x128xf32, #tpu.memory_space<hbm>> -> memref<80x2x128xf32, #tpu.memory_space<hbm>>
      %dma_wait3A_434 = arith.constant 0 : i32
      %dma_wait3A_435 = arith.constant 0 : i32
      %dma_wait3A_436 = arith.constant 0 : i32
      %dma_wait3A_437 = tpu.memref_slice %arg4[%dma_wait3A_434, %dma_wait3A_435, %dma_wait3A_436] : memref<100000x2x128xf32, #tpu.memory_space<hbm>> -> memref<80x2x128xf32, #tpu.memory_space<hbm>>
      tpu.wait_dma2 semaphore(%arg18 : memref<!tpu.dma_semaphore, #tpu.memory_space<semaphore_mem>>) src(%arg6 : memref<80x2x128xf32, #tpu.memory_space<vmem>>) dst(%dma_wait3A_437 : memref<80x2x128xf32, #tpu.memory_space<hbm>>)
    } else {
    }
    %ge3A_379 = arith.constant 4 : i32
    %ge3A_380 = arith.cmpi sge, %select_n3A, %ge3A_379 : i32
    %sub3A_381 = arith.constant 4 : i32
    %sub3A_382 = arith.subi %select_n3A, %sub3A_381 : i32
    %jit3A_383 = arith.constant 4 : i32
    %eq3A_384 = arith.constant 0 : i32
    %eq3A_385 = arith.cmpi eq, %jit3A_383, %eq3A_384 : i32
    %jit3A_386 = arith.constant 1 : i32
    %select_n3A_387 = arith.select %eq3A_385, %jit3A_386, %jit3A_383 : i32
    %rem3A_388 = arith.remsi %sub3A_382, %select_n3A_387 : i32
    %ne3A_389 = arith.constant 0 : i32
    %ne3A_390 = arith.cmpi ne, %rem3A_388, %ne3A_389 : i32
    %lt3A_391 = arith.constant 0 : i32
    %lt3A_392 = arith.cmpi slt, %rem3A_388, %lt3A_391 : i32
    %lt3A_393 = arith.constant 0 : i32
    %lt3A_394 = arith.cmpi slt, %select_n3A_387, %lt3A_393 : i32
    %ne3A_395 = arith.xori %lt3A_392, %lt3A_394 : i1
    %and3A_396 = arith.andi %ne3A_395, %ne3A_390 : i1
    %add3A_397 = arith.addi %rem3A_388, %select_n3A_387 : i32
    %select_n3A_398 = arith.select %and3A_396, %add3A_397, %rem3A_388 : i32
    %eq3A_399 = arith.constant 2 : i32
    %eq3A_400 = arith.cmpi eq, %select_n3A_398, %eq3A_399 : i32
    %and3A_401 = arith.andi %ge3A_380, %eq3A_400 : i1
    %convert_element_type3A_402 = arith.extui %and3A_401 : i1 to i32
    %cond3A_403 = arith.constant 0 : i32
    %cond3A_404 = arith.cmpi ne, %convert_element_type3A_402, %cond3A_403 : i32
    scf.if %cond3A_404 {
      %dma_wait3A = arith.constant 0 : i32
      %dma_wait3A_431 = arith.constant 0 : i32
      %dma_wait3A_432 = arith.constant 0 : i32
      %dma_wait3A_433 = tpu.memref_slice %arg4[%dma_wait3A, %dma_wait3A_431, %dma_wait3A_432] : memref<100000x2x128xf32, #tpu.memory_space<hbm>> -> memref<80x2x128xf32, #tpu.memory_space<hbm>>
      %dma_wait3A_434 = arith.constant 0 : i32
      %dma_wait3A_435 = arith.constant 0 : i32
      %dma_wait3A_436 = arith.constant 0 : i32
      %dma_wait3A_437 = tpu.memref_slice %arg4[%dma_wait3A_434, %dma_wait3A_435, %dma_wait3A_436] : memref<100000x2x128xf32, #tpu.memory_space<hbm>> -> memref<80x2x128xf32, #tpu.memory_space<hbm>>
      tpu.wait_dma2 semaphore(%arg19 : memref<!tpu.dma_semaphore, #tpu.memory_space<semaphore_mem>>) src(%arg7 : memref<80x2x128xf32, #tpu.memory_space<vmem>>) dst(%dma_wait3A_437 : memref<80x2x128xf32, #tpu.memory_space<hbm>>)
    } else {
    }
    %ge3A_405 = arith.constant 4 : i32
    %ge3A_406 = arith.cmpi sge, %select_n3A, %ge3A_405 : i32
    %sub3A_407 = arith.constant 4 : i32
    %sub3A_408 = arith.subi %select_n3A, %sub3A_407 : i32
    %jit3A_409 = arith.constant 4 : i32
    %eq3A_410 = arith.constant 0 : i32
    %eq3A_411 = arith.cmpi eq, %jit3A_409, %eq3A_410 : i32
    %jit3A_412 = arith.constant 1 : i32
    %select_n3A_413 = arith.select %eq3A_411, %jit3A_412, %jit3A_409 : i32
    %rem3A_414 = arith.remsi %sub3A_408, %select_n3A_413 : i32
    %ne3A_415 = arith.constant 0 : i32
    %ne3A_416 = arith.cmpi ne, %rem3A_414, %ne3A_415 : i32
    %lt3A_417 = arith.constant 0 : i32
    %lt3A_418 = arith.cmpi slt, %rem3A_414, %lt3A_417 : i32
    %lt3A_419 = arith.constant 0 : i32
    %lt3A_420 = arith.cmpi slt, %select_n3A_413, %lt3A_419 : i32
    %ne3A_421 = arith.xori %lt3A_418, %lt3A_420 : i1
    %and3A_422 = arith.andi %ne3A_421, %ne3A_416 : i1
    %add3A_423 = arith.addi %rem3A_414, %select_n3A_413 : i32
    %select_n3A_424 = arith.select %and3A_422, %add3A_423, %rem3A_414 : i32
    %eq3A_425 = arith.constant 3 : i32
    %eq3A_426 = arith.cmpi eq, %select_n3A_424, %eq3A_425 : i32
    %and3A_427 = arith.andi %ge3A_406, %eq3A_426 : i1
    %convert_element_type3A_428 = arith.extui %and3A_427 : i1 to i32
    %cond3A_429 = arith.constant 0 : i32
    %cond3A_430 = arith.cmpi ne, %convert_element_type3A_428, %cond3A_429 : i32
    scf.if %cond3A_430 {
      %dma_wait3A = arith.constant 0 : i32
      %dma_wait3A_431 = arith.constant 0 : i32
      %dma_wait3A_432 = arith.constant 0 : i32
      %dma_wait3A_433 = tpu.memref_slice %arg4[%dma_wait3A, %dma_wait3A_431, %dma_wait3A_432] : memref<100000x2x128xf32, #tpu.memory_space<hbm>> -> memref<80x2x128xf32, #tpu.memory_space<hbm>>
      %dma_wait3A_434 = arith.constant 0 : i32
      %dma_wait3A_435 = arith.constant 0 : i32
      %dma_wait3A_436 = arith.constant 0 : i32
      %dma_wait3A_437 = tpu.memref_slice %arg4[%dma_wait3A_434, %dma_wait3A_435, %dma_wait3A_436] : memref<100000x2x128xf32, #tpu.memory_space<hbm>> -> memref<80x2x128xf32, #tpu.memory_space<hbm>>
      tpu.wait_dma2 semaphore(%arg20 : memref<!tpu.dma_semaphore, #tpu.memory_space<semaphore_mem>>) src(%arg8 : memref<80x2x128xf32, #tpu.memory_space<vmem>>) dst(%dma_wait3A_437 : memref<80x2x128xf32, #tpu.memory_space<hbm>>)
    } else {
    }
    return
  }
}

</mosaic_0001>

<sc_bundles>
// kernel: kernel.3.cloned.1.call-start
scs
__scs_entry_jumppad:
0x0: {  	(pc) =	sbr.rel $0x88, $3  }
0x1: {  	(tag) =	ssettag $0x0;
	lr =	simm.s32 $0x1  }
0x2: {  	[smem:$0x3F9F] =	sst lr;
	_ =	strace $0xD0000000  }
0x3: {  	_ = 	snop  }
0x4: {  	_ = 	snop  }
0x5: {  	_ = 	snop  }
0x6: {  	_ = 	snop  }
0x7: {  	_ = 	snop  }
__scs_overlays_trampoline_lowered:
0x8: {  	[smem:$0x3FAE] =	sst s0  }
0x9: {  	[smem:$0x3FAF] =	sst s1  }
0xa: {  	[smem:$0x3FB0] =	sst s2  }
0xb: {  	[smem:$0x3FB1] =	sst s3  }
0xc: {  	[smem:$0x3FB2] =	sst s4  }
0xd: {  	[smem:$0x3FB3] =	sst s5  }
0xe: {  	[smem:$0x3FB4] =	sst s6  }
0xf: {  	[smem:$0x3FB5] =	sst s7  }
0x10: {  	[smem:$0x3FB6] =	sst s8  }
0x11: {  	[smem:$0x3FB7] =	sst s9;
	s0 =	simm.s32 @!p0 $0x0  }
0x12: {  	s1 =	sld [smem:$0x3F9D];
	s0 =	simm.s32 @p0 $0x1  }
0x13: {  	[smem:$0x3FB8] =	sst s0;
	s0 =	simm.s32 @!p1 $0x0  }
0x14: {  	s2 =	sld [smem:$0x3F9C];
	s0 =	simm.s32 @p1 $0x1  }
0x15: {  	[smem:$0x3FB9] =	sst s0;
	s0 =	simm.s32 @!p2 $0x0  }
0x16: {  	s3 =	sld [smem:$0x3FDB];
	s0 =	simm.s32 @p2 $0x1  }
0x17: {  	s4 =	simm.s32 $0x1BF5;
	[smem:$0x3FBB] =	sst s0  }
0x18: {  	s0 =	sld [smem:$0x3F9E];
	_ =	swait.ge [sflag:s4], $0x0  }
0x19: {  	s7 =	sld [smem:$0x3F9F]  }
0x1a: {  	s8 =	sadd.s32 $0xFFFFE003, lr  }
0x1b: {  	s9 =	sadd.s32 $0xFFFFFEF7, lr;
	s5 =	simm.s32 $0xFFFFFFFF;
	p2 =	slt.u32 s8, $0xFFFFF086  }
0x1c: {  	p1 =	slt.u32 s9, $0xF7A;
	s5 =	simm.s32 @!p2 $0x0  }
0x1d: {  	s5 =	simm.s32 @p1 $0x1;
	p0 =	seq.s32 s7, s2  }
0x1e: {  	s7 =	smul.u32 @!p0 $0xF7A, s2;
	p2 =	seq.s32 @!p0 s5, $0x0  }
0x1f: {  	s9 =	smul.u32 $0xF7A, s1;
	s8 =	simm.s32 @!p0 $0x1BF5;
	p2 =	por !p2, p0  }
0x20: {  	[sflag:s8] =	ssyncset.s32 @!p0 $0xFFFFF086;
	s6 =	sadd.s32 @!p0 s3, s7;
	s7 =	simm.s32 @!p0 $0x108  }
0x21: {  	s3 =	sadd.s32 s3, s9;
	s6 =	sadd.s32 @!p0 $0x88, s6;
	s7 =	simm.s32 @p2 $0x1082  }
0x22: {  	[simem:s7], [sflag:s8] =	dma.local @!p0 [hbm:s6], $0xF7A  }
0x23: {  	s9 =	sor.u32 $0xD0000000, s2;
	s6 =	simm.s32 $0x108;
	_ =	swait.ge @!p0 [sflag:s8], $0x0  }
0x24: {  	s3 =	sadd.s32 $0x88, s3;
	s6 =	simm.s32 @!p1 $0x1082;
	[sflag:s4] =	ssyncset.s32 $0xFFFFF086  }
0x25: {  	[simem:s6], [sflag:s4] =	dma.local [hbm:s3], $0xF7A  }
0x26: {  	[smem:$0x3F9F] =	sst s1;
	(tag) =	ssettag s2;
	_ =	strace s9  }
0x27: {  	s1 =	sld [smem:$0x3FAF]  }
0x28: {  	s2 =	sld [smem:$0x3FB0]  }
0x29: {  	s4 =	sld [smem:$0x3FB2]  }
0x2a: {  	p0 =	seq.s32 s5, $0x0;
	s5 =	sld [smem:$0x3FB3]  }
0x2b: {  	s6 =	sld [smem:$0x3FB4]  }
0x2c: {  	s7 =	sld [smem:$0x3FB5]  }
0x2d: {  	s3 =	simm.s32 $0x108;
	s8 =	sld [smem:$0x3FB6]  }
0x2e: {  	s3 =	simm.s32 @!p0 $0x1082;
	s9 =	sld [smem:$0x3FB7]  }
0x2f: {  	lr =	sadd.s32 s0, s3;
	s0 =	sld [smem:$0x3FAE]  }
0x30: {  	s3 =	sld [smem:$0x3FB1]  }
0x31: {  	[smem:$0x3FBA] =	sst s10  }
0x32: {  	s10 =	sld [smem:$0x3FB8];
	_ =	sdelay $0x3  }
0x33: {  	p0 =	seq.s32 s10, $0x1;
	s10 =	sld [smem:$0x3FBA];
	_ =	sdelay $0x3  }
0x34: {  	[smem:$0x3FBA] =	sst s10  }
0x35: {  	s10 =	sld [smem:$0x3FB9];
	_ =	sdelay $0x3  }
0x36: {  	p1 =	seq.s32 s10, $0x1;
	s10 =	sld [smem:$0x3FBA];
	_ =	sdelay $0x3  }
0x37: {  	[smem:$0x3FBA] =	sst s10  }
0x38: {  	s10 =	sld [smem:$0x3FBB]  }
0x39: {  	_ = 	snop;
	(pc) =	sbr.ind lr, $3  }
0x3a: {  	_ = 	snop  }
0x3b: {  	_ = 	snop  }
0x3c: {  	p2 =	seq.s32 s10, $0x1;
	s10 =	sld [smem:$0x3FBA]  }
0x3d: {  	_ =	shalt  }
0x3e: {  	_ =	shalt  }
0x3f: {  	_ =	shalt  }
0x40: {  	_ =	shalt  }
0x41: {  	_ =	shalt  }
0x42: {  	_ =	shalt  }
0x43: {  	_ =	shalt  }
0x44: {  	_ =	shalt  }
0x45: {  	_ =	shalt  }
0x46: {  	_ =	shalt  }
0x47: {  	_ =	shalt  }
0x48: {  	_ =	shalt  }
0x49: {  	_ =	shalt  }
0x4a: {  	_ =	shalt  }
0x4b: {  	_ =	shalt  }
0x4c: {  	_ =	shalt  }
0x4d: {  	_ =	shalt  }
0x4e: {  	_ =	shalt  }
0x4f: {  	_ =	shalt  }
0x50: {  	_ =	shalt  }
0x51: {  	_ =	shalt  }
0x52: {  	_ =	shalt  }
0x53: {  	_ =	shalt  }
0x54: {  	_ =	shalt  }
0x55: {  	_ =	shalt  }
0x56: {  	_ =	shalt  }
0x57: {  	_ =	shalt  }
0x58: {  	_ =	shalt  }
0x59: {  	_ =	shalt  }
0x5a: {  	_ =	shalt  }
0x5b: {  	_ =	shalt  }
0x5c: {  	_ =	shalt  }
0x5d: {  	_ =	shalt  }
0x5e: {  	_ =	shalt  }
0x5f: {  	_ =	shalt  }
0x60: {  	_ =	shalt  }
0x61: {  	_ =	shalt  }
0x62: {  	_ =	shalt  }
0x63: {  	_ =	shalt  }
0x64: {  	_ =	shalt  }
0x65: {  	_ =	shalt  }
0x66: {  	_ =	shalt  }
0x67: {  	_ =	shalt  }
0x68: {  	_ =	shalt  }
0x69: {  	_ =	shalt  }
0x6a: {  	_ =	shalt  }
0x6b: {  	_ =	shalt  }
0x6c: {  	_ =	shalt  }
0x6d: {  	_ =	shalt  }
0x6e: {  	_ =	shalt  }
0x6f: {  	_ =	shalt  }
0x70: {  	_ =	shalt  }
0x71: {  	_ =	shalt  }
0x72: {  	_ =	shalt  }
0x73: {  	_ =	shalt  }
0x74: {  	_ =	shalt  }
0x75: {  	_ =	shalt  }
0x76: {  	_ =	shalt  }
0x77: {  	_ =	shalt  }
0x78: {  	_ =	shalt  }
0x79: {  	_ =	shalt  }
0x7a: {  	_ =	shalt  }
0x7b: {  	_ =	shalt  }
0x7c: {  	_ =	shalt  }
0x7d: {  	_ =	shalt  }
0x7e: {  	_ =	shalt  }
0x7f: {  	_ =	shalt  }
0x80: {  	_ =	shalt  }
0x81: {  	_ =	shalt  }
0x82: {  	_ =	shalt  }
0x83: {  	_ =	shalt  }
0x84: {  	_ =	shalt  }
0x85: {  	_ =	shalt  }
0x86: {  	_ =	shalt  }
0x87: {  	_ =	shalt  }
.Lfunc_end0:
.L_simem_size_0:
called_computation_lowered:
.L_overlay_start_0:
0x88: {  	s2 =	sld [smem:$0x3FD9]  }
0x89: {  	s3 =	sld [smem:$0x3FFE];
	_ =	sdelay $0x1  }
0x8a: {  	s1 =	srdreg.scid  }
0x8b: {  	s0 =	sand.u32 $0x1, s1  }
0x8c: {  	s18 =	sshll.u32 s0, $0xA;
	s2 =	sadd.s32 s3, s2  }
0x8d: {  	s2 =	sadd.s32 s2, s18  }
0x8e: {  	[smem:$0x3FC6] =	sst s2  }
0x8f: {  	_ = 	snop  }
0x90: {  	s2 =	sld [smem:$0x3FC9]  }
0x91: {  	s19 =	sld [smem:$0x3FC8]  }
0x92: {  	s4 =	sld [smem:$0x3FD0];
	(tm) =	ssettm $0x1  }
0x93: {  	s5 =	sld [smem:$0x3FFB];
	_ =	sdelay $0x3  }
0x94: {  	_ =	strace s5  }
0x95: {  	s5 =	sld [smem:$0x3FFC];
	_ =	sdelay $0x3  }
0x96: {  	_ =	strace s5  }
0x97: {  	s5 =	sld [smem:$0x3FFD];
	_ =	sdelay $0x3  }
0x98: {  	_ =	strace s5  }
0x99: {  	_ =	strace $0x8FFFFFFF  }
0x9a: {  	s20 =	sld [smem:$0x3FDB];
	_ =	sdelay $0x1  }
0x9b: {  	s6 =	simm.s32 $_scs_section_size  }
0x9c: {  	s7 =	simm.s32 $_size__tile_overlayer_lowered;
	s8 =	simm.s32 $_tile_overlayer_lowered  }
0x9d: {  	s23 =	simm.s32 $0x1BFF;
	s22 =	sshll.u32 s8, $0x1;
	s5 =	sadd.s32 s6, s20  }
0x9e: {  	s9 =	simm.s32 $0x0;
	s21 =	sshll.u32 s7, $0x1;
	s7 =	sadd.s32 s22, s5  }
0x9f: {  	[timem:s9], [sflag:s23] =	dma.local [hbm:s7], s21  }
0xa0: {  	_ =	swait.ge [sflag:s23], s21  }
0xa1: {  	s6 =	ssub.s32 $0x0, s21;
	[sflag:s23] =	ssyncset.done $0x0  }
0xa2: {  	[sflag:s23] =	ssyncadd.s32 s6;
	_ =	sdelay $0x1  }
0xa3: {  	s24 =	simm.s32 $0x1B8B  }
0xa4: {  	_ =	swait.ge [sflag:s24], $0x1  }
0xa5: {  	[sflag:s24] =	ssyncset.done $0x0  }
0xa6: {  	s25 =	simm.s32 $0x1B8E;
	[sflag:s24] =	ssyncadd.s32 $0xFFFFFFFF  }
0xa7: {  	s26 =	simm.s32 $execute0_lowered;
	[smem:$0x3FD2] =	sst s25  }
0xa8: {  	s6 =	sshll.u32 s26, $0x1;
	_ =	strace $0x80000046;
	[dreg:$0x1] =	wrdreg $0xFFFFFFFF  }
0xa9: {  	s28 =	simm.s32 $_size_execute0_lowered;
	s5 =	sadd.s32 s5, s6;
	[dreg:$0x0] =	wrdreg $0x0  }
0xaa: {  	s6 =	sshll.u32 s28, $0x1;
	[dreg:$0x2] =	wrdreg s5  }
0xab: {  	[dreg:$0x3] =	wrdreg s6  }
0xac: {  	[dreg:$0x4] =	wrdreg $0xC0  }
0xad: {  	_ =	task [dreg:s9], $0x5FFFF  }
0xae: {  	[dreg:$0x1] =	wrdreg $0xFFFFFFFF  }
0xaf: {  	[dreg:$0x0] =	wrdreg $0x60  }
0xb0: {  	[dreg:$0x2] =	wrdreg s2  }
0xb1: {  	[dreg:$0x3] =	wrdreg s19  }
0xb2: {  	[dreg:$0x4] =	wrdreg s4  }
0xb3: {  	[dreg:$0x5] =	wrdreg $0x9  }
0xb4: {  	_ =	task.clear_ibuf [dreg:s9], $0x6FFFF;
	_ =	strace $0x90000046  }
0xb5: {  	s29 =	simm.s32 $0x9;
	_ =	strace $0x80000048  }
0xb6: {  	_ =	swait.ge [sflag:s29], $0x1  }
0xb7: {  	[sflag:s29] =	ssyncadd.s32 $0xFFFFFFFF  }
0xb8: {  	_ =	strace $0x90000048  }
0xb9: {  	_ =	sfence  }
0xba: {  	s30 =	sld [smem:$0x0];
	_ =	sdelay $0x2  }
0xbb: {  	s31 =	sshll.u32 s1, $0xD;
	s1 =	sshrl.u32 s1, $0x2  }
0xbc: {  	s3 =	sand.u32 $0x4000, s31;
	s1 =	sadd.s32 s1, s30  }
0xbd: {  	s0 =	sor.u32 s3, s0;
	s1 =	sshll.u32 s1, $0x11  }
0xbe: {  	s0 =	sor.u32 s1, s0  }
0xbf: {  	s0 =	sadd.s32 $0x8F2B, s0  }
0xc0: {  	[sflag:s0] =	ssyncadd.remote.s32 $0x1  }
0xc1: {  	_ =	sfence.sel $0xFFFF  }
0xc2: {  	[dreg:$0x0] =	wrdreg $0xFFFFFFFF;
	(pc) =	sbr.abs _section_cstart, $3  }
0xc3: {  	[dreg:$0x1] =	wrdreg $0xFFFFFFFF  }
0xc4: {  	_ =	task.clear_ibuf [dreg:s9], $0x2FFFF;
	_ =	strace $0x9FFFFFFF  }
0xc5: {  	(tm) =	ssettm $0x7FFFFFFF  }
tec
execute0_lowered:
.L_overlay_start_1:
0x0: {  	(tag) =	ssettag $0x1  }
0x1: {  	s1 =	rddreg [dreg:$0x0]  }
0x2: {  	s3 =	rddreg [dreg:$0x1]  }
0x3: {  	s4 =	rddreg [dreg:$0x2]  }
0x4: {  	s0 =	srdreg.scid;
	s8 =	stileid.u32  }
0x5: {  	s5 =	simm.s32 $0x0;
	s15 =	simm.s32 $0x7;
	s16 =	simm.s32 $0x5  }
0x6: {  	s18 =	simm.s32 $0x5000;
	s20 =	simm.s32 $0xA000;
	s22 =	simm.s32 $0x1  }
0x7: {  	s23 =	simm.s32 $0x2;
	s24 =	simm.s32 $0x3;
	s25 =	simm.s32 $0x4  }
0x8: {  	s26 =	simm.s32 $0xF000;
	s0 =	sand.u32 $0x1, s0;
	s2 =	sshll.u32 s8, $0x1  }
0x9: {  	s28 =	simm.s32 $0x0;
	[smem:$0x7FF] =	sst s5;
	s6 =	sor.u32 s0, s2  }
0xa: {  	p0 =	seq.s32 s8, $0x0;
	s7 =	ssub.s32 $0x2, s0;
	s2 =	smul.u32 $0xA00, s6  }
0xb: {  	_ =	strace $0x80000047;
	s29 =	sshrl.u32 s7, $0x1;
	s10 =	smul.u32 $0x50, s6  }
0xc: {  	s9 =	smul.u32 $0x500, s6;
	s0 =	ssub.s32 s7, s29;
	s7 =	simm.s32 $0x28  }
0xd: {  	s7 =	simm.s32 @!p0 $0x27;
	s8 =	sadd.s32 s1, s2;
	s30 =	sadd.s32 $0xA00, s10  }
0xe: {  	s9 =	sadd.s32 s3, s9;
	s13 =	sadd.s32 $0x1400, s10;
	s11 =	sshll.u32 s30, $0x5  }
0xf: {  	s14 =	smax.u32 s0, $0x1;
	s2 =	sshll.u32 s30, $0x4;
	s10 =	sadd.s32 s1, s11  }
.Ltmp0:
0x10: {  	s11 =	sadd.s32 s3, s2;
	s2 =	sand.u32 $0x3, s7;
	(pc) =	sbr.rel .LBB2_1-.Ltmp0, $4  }
0x11: {  	s12 =	sshll.u32 s13, $0x5;
	s31 =	sshll.u32 s13, $0x4;
	p0 =	seq.s32 s2, $0x3  }
0x12: {  	s15 =	simm.s32 @!p0 $0x8;
	s16 =	simm.s32 @!p0 $0x6;
	p0 =	sgt.s32 s2, $0x1  }
0x13: {  	s12 =	sadd.s32 s1, s12;
	p1 =	seq.s32 @p0 s2, $0x2;
	p2 =	seq.s32 @!p0 s2, $0x0  }
0x14: {  	s13 =	sadd.s32 s3, s31;
	p1 =	por !p1, !p0;
	p2 =	por !p2, p0  }
.LBB2_19:
0x15: {  	_ =	swait.ge [sflag:s15], $0x5000;
	s2 =	simm.s32 $0x5;
	s0 =	simm.s32 @!p2 $0x7  }
0x16: {  	[sflag:s15] =	ssyncset.done $0x0;
	s2 =	simm.s32 @p1 $0x6;
	s0 =	simm.s32 @p2 $0x8  }
0x17: {  	[sflag:s15] =	ssyncadd.s32 $0xFFFFB000;
	s0 =	smov.u32 @p0 s2  }
0x18: {  	_ =	swait.ge [sflag:s0], $0x5000  }
0x19: {  	s28 =	sadd.s32 $0x1, s28;
	[sflag:s0] =	ssyncset.done $0x0  }
0x1a: {  	p3 =	sne.s32 s28, s14;
	s2 =	simm.s32 $0x5;
	[sflag:s0] =	ssyncadd.s32 $0xFFFFB000  }
0x1b: {  	s2 =	simm.s32 @p2 $0x6;
	s0 =	simm.s32 @!p1 $0x7;
	_ =	swait.ge [sflag:s16], $0x5000  }
.Ltmp1:
0x1c: {  	s0 =	simm.s32 @p1 $0x8;
	[sflag:s16] =	ssyncset.done $0x0;
	(pc) =	sbr.rel @!p3 .LBB2_20-.Ltmp1, $4  }
0x1d: {  	s2 =	smov.u32 @p0 s0;
	[sflag:s16] =	ssyncadd.s32 $0xFFFFB000  }
0x1e: {  	_ =	swait.ge [sflag:s2], $0x5000  }
0x1f: {  	[sflag:s2] =	ssyncset.done $0x0  }
0x20: {  	[sflag:s2] =	ssyncadd.s32 $0xFFFFB000  }
.LBB2_1:
0x21: {  	[tilespmem:s5], [sflag:$0x1] =	stream.linear.gather [hbm4b:s8+s5], $0x5000, $0x38;
	[tilespmem:$0x1E000] =	vst v63  }
0x22: {  	s0 =	simm.s32 $0x14000  }
0x23: {  	[tilespmem:s0], [sflag:$0x1] =	stream.linear.gather [hbm4b:s9+s5], $0x2800, $0x38;
	[tilespmem:$0x1E000] =	vst v63  }
0x24: {  	_ = 	snop  }
0x25: {  	[tilespmem:s18], [sflag:$0x2] =	stream.linear.gather [hbm4b:s10+s5], $0x5000, $0x38;
	[tilespmem:$0x1E000] =	vst v63  }
0x26: {  	s30 =	simm.s32 $0x16800  }
0x27: {  	[tilespmem:s30], [sflag:$0x2] =	stream.linear.gather [hbm4b:s11+s5], $0x2800, $0x38;
	[tilespmem:$0x1E000] =	vst v63  }
.Ltmp2:
0x28: {  	_ = 	snop;
	(pc) =	sbr.rel .LBB2_2-.Ltmp2, $4  }
0x29: {  	_ = 	snop  }
0x2a: {  	[tilespmem:s20], [sflag:$0x3] =	stream.linear.gather [hbm4b:s12+s5], $0x5000, $0x38;
	[tilespmem:$0x1E000] =	vst v63  }
0x2b: {  	s31 =	simm.s32 $0x19000;
	s29 =	simm.s32 $0x0  }
0x2c: {  	[tilespmem:s31], [sflag:$0x3] =	stream.linear.gather [hbm4b:s13+s5], $0x2800, $0x38;
	[tilespmem:$0x1E000] =	vst v63  }
.LBB2_18:
0x2d: {  	s29 =	sadd.s32 $0x1, s29  }
0x2e: {  	p3 =	sne.s32 s29, $0xA  }
.Ltmp3:
0x2f: {  	_ = 	snop;
	(pc) =	sbr.rel @!p3 .LBB2_19-.Ltmp3, $1  }
0x30: {  	_ =	sdelay $0x3  }
.LBB2_2:
0x31: {  	s30 =	sshll.u32 s29, $0x2  }
0x32: {  	p3 =	sge.u32 s30, s7  }
.Ltmp4:
0x33: {  	_ = 	snop;
	(pc) =	sbr.rel @p3 .LBB2_6-.Ltmp4, $1  }
0x34: {  	_ =	sdelay $0x3  }
0x35: {  	_ =	swait.ge [sflag:s22], $0x5000  }
0x36: {  	[sflag:s22] =	ssyncset.done $0x0  }
0x37: {  	[sflag:s22] =	ssyncadd.s32 $0xFFFFB000  }
0x38: {  	_ =	swait.ge [sflag:s22], $0x2800  }
0x39: {  	[sflag:s22] =	ssyncset.done $0x0  }
0x3a: {  	s31 =	simm.s32 $0x14080;
	[sflag:s22] =	ssyncadd.s32 $0xFFFFD800  }
0x3b: {  	v0 =	vld [tilespmem:s31+$0x0];
	_ =	sdelay $0x2  }
0x3c: {  	v1 =	vld [tilespmem:s31+$0xFFFFFF80]  }
0x3d: {  	s0 =	simm.s32 $0x100  }
0x3e: {  	[tilespmem:s0+$0x0] =	vst.add.f32.msk $0xffff, v0  }
0x3f: {  	[tilespmem:s0+$0x80] =	vst.add.f32.msk $0xffff, v0  }
0x40: {  	v0 =	vld [tilespmem:s31+$0x10]  }
0x41: {  	[tilespmem:s0+$0xFFFFFF00] =	vst.add.f32.msk $0xffff, v1  }
0x42: {  	[tilespmem:s0+$0xFFFFFF80] =	vst.add.f32.msk $0xffff, v1  }
0x43: {  	v1 =	vld [tilespmem:s31+$0xFFFFFF90];
	_ =	sdelay $0x1  }
0x44: {  	[tilespmem:s0+$0x10] =	vst.add.f32.msk $0xffff, v0  }
0x45: {  	[tilespmem:s0+$0x90] =	vst.add.f32.msk $0xffff, v0  }
0x46: {  	v0 =	vld [tilespmem:s31+$0x20]  }
0x47: {  	[tilespmem:s0+$0xFFFFFF10] =	vst.add.f32.msk $0xffff, v1  }
0x48: {  	[tilespmem:s0+$0xFFFFFF90] =	vst.add.f32.msk $0xffff, v1  }
0x49: {  	v1 =	vld [tilespmem:s31+$0xFFFFFFA0];
	_ =	sdelay $0x1  }
0x4a: {  	[tilespmem:s0+$0x20] =	vst.add.f32.msk $0xffff, v0  }
0x4b: {  	[tilespmem:s0+$0xA0] =	vst.add.f32.msk $0xffff, v0  }
0x4c: {  	v0 =	vld [tilespmem:s31+$0x30]  }
0x4d: {  	[tilespmem:s0+$0xFFFFFF20] =	vst.add.f32.msk $0xffff, v1  }
0x4e: {  	[tilespmem:s0+$0xFFFFFFA0] =	vst.add.f32.msk $0xffff, v1  }
0x4f: {  	v1 =	vld [tilespmem:s31+$0xFFFFFFB0];
	_ =	sdelay $0x1  }
0x50: {  	[tilespmem:s0+$0x30] =	vst.add.f32.msk $0xffff, v0  }
0x51: {  	[tilespmem:s0+$0xB0] =	vst.add.f32.msk $0xffff, v0  }
0x52: {  	v0 =	vld [tilespmem:s31+$0x40]  }
0x53: {  	[tilespmem:s0+$0xFFFFFF30] =	vst.add.f32.msk $0xffff, v1  }
0x54: {  	[tilespmem:s0+$0xFFFFFFB0] =	vst.add.f32.msk $0xffff, v1  }
0x55: {  	v1 =	vld [tilespmem:s31+$0xFFFFFFC0];
	_ =	sdelay $0x1  }
0x56: {  	[tilespmem:s0+$0x40] =	vst.add.f32.msk $0xffff, v0  }
0x57: {  	[tilespmem:s0+$0xC0] =	vst.add.f32.msk $0xffff, v0  }
0x58: {  	v0 =	vld [tilespmem:s31+$0x50]  }
0x59: {  	[tilespmem:s0+$0xFFFFFF40] =	vst.add.f32.msk $0xffff, v1  }
0x5a: {  	[tilespmem:s0+$0xFFFFFFC0] =	vst.add.f32.msk $0xffff, v1  }
0x5b: {  	v2 =	vld [tilespmem:s31+$0xFFFFFFD0];
	_ =	sdelay $0x1  }
0x5c: {  	[tilespmem:s0+$0x50] =	vst.add.f32.msk $0xffff, v0  }
0x5d: {  	[tilespmem:s0+$0xD0] =	vst.add.f32.msk $0xffff, v0  }
0x5e: {  	v1 =	vld [tilespmem:s31+$0x60]  }
0x5f: {  	[tilespmem:s0+$0xFFFFFF50] =	vst.add.f32.msk $0xffff, v2  }
0x60: {  	[tilespmem:s0+$0xFFFFFFD0] =	vst.add.f32.msk $0xffff, v2  }
0x61: {  	s17 =	simm.s32 $0x0;
	s19 =	simm.s32 $0x14180;
	s2 =	simm.s32 $0x100;
	v0 =	vld [tilespmem:s31+$0xFFFFFFE0]  }
.LBB2_4:
0x62: {  	v2 =	vld [tilespmem:s19+$0x0]  }
0x63: {  	[tilespmem:s0+$0x60] =	vst.add.f32.msk $0xffff, v1  }
0x64: {  	[tilespmem:s0+$0xE0] =	vst.add.f32.msk $0xffff, v1  }
0x65: {  	v1 =	vld [tilespmem:s31+$0x70]  }
0x66: {  	v3 =	vld [tilespmem:s19+$0xFFFFFF80]  }
0x67: {  	s0 =	sadd.s32 $0x200, s0;
	[tilespmem:s2+$0xFFFFFF60] =	vst.add.f32.msk $0xffff, v0  }
0x68: {  	[tilespmem:s0+$0x0] =	vst.add.f32.msk $0xffff, v2  }
0x69: {  	[tilespmem:s0+$0x80] =	vst.add.f32.msk $0xffff, v2  }
0x6a: {  	[tilespmem:s2+$0xF0] =	vst.add.f32.msk $0xffff, v1  }
0x6b: {  	s17 =	sadd.s32 $0x2, s17;
	v2 =	vld [tilespmem:s19+$0x10]  }
0x6c: {  	p3 =	slt.u32 s17, $0x4E;
	[tilespmem:s0+$0xFFFFFF00] =	vst.add.f32.msk $0xffff, v3  }
0x6d: {  	[tilespmem:s0+$0xFFFFFF80] =	vst.add.f32.msk $0xffff, v3  }
0x6e: {  	v3 =	vld [tilespmem:s19+$0xFFFFFF90]  }
0x6f: {  	[tilespmem:s2+$0xFFFFFFE0] =	vst.add.f32.msk $0xffff, v0  }
0x70: {  	[tilespmem:s0+$0x10] =	vst.add.f32.msk $0xffff, v2  }
0x71: {  	[tilespmem:s0+$0x90] =	vst.add.f32.msk $0xffff, v2  }
0x72: {  	v0 =	vld [tilespmem:s19+$0x20]  }
0x73: {  	[tilespmem:s0+$0xFFFFFF10] =	vst.add.f32.msk $0xffff, v3  }
0x74: {  	[tilespmem:s0+$0xFFFFFF90] =	vst.add.f32.msk $0xffff, v3  }
0x75: {  	v2 =	vld [tilespmem:s19+$0xFFFFFFA0]  }
0x76: {  	v3 =	vld [tilespmem:s31+$0xFFFFFFF0];
	s31 =	smov.u32 s19  }
0x77: {  	[tilespmem:s0+$0x20] =	vst.add.f32.msk $0xffff, v0  }
0x78: {  	[tilespmem:s0+$0xA0] =	vst.add.f32.msk $0xffff, v0  }
0x79: {  	v0 =	vld [tilespmem:s19+$0x30]  }
0x7a: {  	[tilespmem:s0+$0xFFFFFF20] =	vst.add.f32.msk $0xffff, v2  }
0x7b: {  	[tilespmem:s0+$0xFFFFFFA0] =	vst.add.f32.msk $0xffff, v2  }
0x7c: {  	v2 =	vld [tilespmem:s19+$0xFFFFFFB0]  }
0x7d: {  	[tilespmem:s2+$0xFFFFFF70] =	vst.add.f32.msk $0xffff, v3  }
0x7e: {  	[tilespmem:s0+$0x30] =	vst.add.f32.msk $0xffff, v0  }
0x7f: {  	[tilespmem:s0+$0xB0] =	vst.add.f32.msk $0xffff, v0  }
0x80: {  	v0 =	vld [tilespmem:s19+$0x40]  }
0x81: {  	[tilespmem:s0+$0xFFFFFF30] =	vst.add.f32.msk $0xffff, v2  }
0x82: {  	[tilespmem:s0+$0xFFFFFFB0] =	vst.add.f32.msk $0xffff, v2  }
0x83: {  	v2 =	vld [tilespmem:s19+$0xFFFFFFC0]  }
0x84: {  	[tilespmem:s2+$0xFFFFFFF0] =	vst.add.f32.msk $0xffff, v3  }
0x85: {  	[tilespmem:s0+$0x40] =	vst.add.f32.msk $0xffff, v0  }
0x86: {  	[tilespmem:s0+$0xC0] =	vst.add.f32.msk $0xffff, v0  }
0x87: {  	v0 =	vld [tilespmem:s19+$0x50]  }
0x88: {  	[tilespmem:s0+$0xFFFFFF40] =	vst.add.f32.msk $0xffff, v2  }
0x89: {  	[tilespmem:s0+$0xFFFFFFC0] =	vst.add.f32.msk $0xffff, v2  }
0x8a: {  	v2 =	vld [tilespmem:s19+$0xFFFFFFD0]  }
0x8b: {  	[tilespmem:s2+$0x70] =	vst.add.f32.msk $0xffff, v1;
	s2 =	smov.u32 s0  }
0x8c: {  	[tilespmem:s0+$0x50] =	vst.add.f32.msk $0xffff, v0  }
.Ltmp5:
0x8d: {  	[tilespmem:s0+$0xD0] =	vst.add.f32.msk $0xffff, v0;
	(pc) =	sbr.rel @p3 .LBB2_4-.Ltmp5, $4  }
0x8e: {  	v1 =	vld [tilespmem:s19+$0x60]  }
0x8f: {  	[tilespmem:s0+$0xFFFFFF50] =	vst.add.f32.msk $0xffff, v2  }
0x90: {  	[tilespmem:s0+$0xFFFFFFD0] =	vst.add.f32.msk $0xffff, v2  }
0x91: {  	s19 =	sadd.s32 $0x100, s19;
	v0 =	vld [tilespmem:s31+$0xFFFFFFE0]  }
0x92: {  	_ = 	snop  }
0x93: {  	[tilespmem:s0+$0x60] =	vst.add.f32.msk $0xffff, v1  }
0x94: {  	[tilespmem:s0+$0xE0] =	vst.add.f32.msk $0xffff, v1  }
0x95: {  	v1 =	vld [tilespmem:s31+$0x70]  }
0x96: {  	[tilespmem:s2+$0xFFFFFF60] =	vst.add.f32.msk $0xffff, v0  }
0x97: {  	[tilespmem:s2+$0xFFFFFFE0] =	vst.add.f32.msk $0xffff, v0  }
0x98: {  	v0 =	vld [tilespmem:s31+$0xFFFFFFF0];
	_ =	sdelay $0x1  }
0x99: {  	s31 =	sshll.u32 s29, $0x7  }
0x9a: {  	s0 =	sor.u32 s6, s31;
	[tilespmem:s2+$0xF0] =	vst.add.f32.msk $0xffff, v1  }
0x9b: {  	s0 =	smul.u32 $0xA00, s0;
	[tilespmem:s2+$0x70] =	vst.add.f32.msk $0xffff, v1  }
0x9c: {  	[tilespmem:s2+$0xFFFFFF70] =	vst.add.f32.msk $0xffff, v0  }
0x9d: {  	s0 =	sadd.s32 s4, s0;
	[tilespmem:s2+$0xFFFFFFF0] =	vst.add.f32.msk $0xffff, v0  }
0x9e: {  	[hbm4b:s0+s5] =	stream.linear.scatter [tilespmem:s5], [sflag:$0x5], $0x5000, $0x38;
	[tilespmem:$0x1E000] =	vst v63  }
0x9f: {  	s0 =	sor.u32 $0x3, s30  }
0xa0: {  	p3 =	sge.u32 s0, s7  }
0xa1: {  	p4 =	seq.s32 @!p3 s29, $0x0  }
0xa2: {  	s0 =	sshll.u32 @!p3 s0, $0x5;
	p4 =	por p4, p3  }
0xa3: {  	s0 =	sor.u32 @!p3 s6, s0;
	s2 =	simm.s32 @!p4 $0x8  }
0xa4: {  	s17 =	smul.u32 @!p3 $0xA00, s0;
	_ =	swait.ge @!p4 [sflag:s2], $0x5000  }
0xa5: {  	s19 =	simm.s32 @!p3 $0xF000;
	s0 =	smul.u32 @!p3 $0x500, s0;
	[sflag:s2] =	ssyncset.done @!p4 $0x0  }
0xa6: {  	[sflag:s2] =	ssyncadd.s32 @!p4 $0xFFFFB000;
	s2 =	sadd.s32 @!p3 s1, s17;
	s17 =	simm.s32 @!p3 $0x0  }
0xa7: {  	[tilespmem:s19], [sflag:$0x4] =	stream.linear.gather @!p3 [hbm4b:s2+s17], $0x5000, $0x38;
	[tilespmem:$0x1E000] =	vst v63  }
0xa8: {  	s0 =	sadd.s32 @!p3 s3, s0;
	s2 =	simm.s32 @!p3 $0x1B800  }
0xa9: {  	[tilespmem:s2], [sflag:$0x4] =	stream.linear.gather @!p3 [hbm4b:s0+s17], $0x2800, $0x38;
	[tilespmem:$0x1E000] =	vst v63  }
.LBB2_6:
0xaa: {  	s31 =	sor.u32 $0x1, s30  }
0xab: {  	p3 =	sge.u32 s31, s7  }
.Ltmp6:
0xac: {  	_ = 	snop;
	(pc) =	sbr.rel @p3 .LBB2_10-.Ltmp6, $1  }
0xad: {  	_ =	sdelay $0x3  }
0xae: {  	_ =	swait.ge [sflag:s23], $0x5000  }
0xaf: {  	[sflag:s23] =	ssyncset.done $0x0  }
0xb0: {  	[sflag:s23] =	ssyncadd.s32 $0xFFFFB000  }
0xb1: {  	_ =	swait.ge [sflag:s23], $0x2800  }
0xb2: {  	[sflag:s23] =	ssyncset.done $0x0  }
0xb3: {  	s0 =	simm.s32 $0x16880;
	[sflag:s23] =	ssyncadd.s32 $0xFFFFD800  }
0xb4: {  	v0 =	vld [tilespmem:s0+$0x0];
	_ =	sdelay $0x2  }
0xb5: {  	v1 =	vld [tilespmem:s0+$0xFFFFFF80]  }
0xb6: {  	s2 =	simm.s32 $0x5100  }
0xb7: {  	[tilespmem:s2+$0x0] =	vst.add.f32.msk $0xffff, v0  }
0xb8: {  	[tilespmem:s2+$0x80] =	vst.add.f32.msk $0xffff, v0  }
0xb9: {  	v0 =	vld [tilespmem:s0+$0x10]  }
0xba: {  	[tilespmem:s2+$0xFFFFFF00] =	vst.add.f32.msk $0xffff, v1  }
0xbb: {  	[tilespmem:s2+$0xFFFFFF80] =	vst.add.f32.msk $0xffff, v1  }
0xbc: {  	v1 =	vld [tilespmem:s0+$0xFFFFFF90];
	_ =	sdelay $0x1  }
0xbd: {  	[tilespmem:s2+$0x10] =	vst.add.f32.msk $0xffff, v0  }
0xbe: {  	[tilespmem:s2+$0x90] =	vst.add.f32.msk $0xffff, v0  }
0xbf: {  	v0 =	vld [tilespmem:s0+$0x20]  }
0xc0: {  	[tilespmem:s2+$0xFFFFFF10] =	vst.add.f32.msk $0xffff, v1  }
0xc1: {  	[tilespmem:s2+$0xFFFFFF90] =	vst.add.f32.msk $0xffff, v1  }
0xc2: {  	v1 =	vld [tilespmem:s0+$0xFFFFFFA0];
	_ =	sdelay $0x1  }
0xc3: {  	[tilespmem:s2+$0x20] =	vst.add.f32.msk $0xffff, v0  }
0xc4: {  	[tilespmem:s2+$0xA0] =	vst.add.f32.msk $0xffff, v0  }
0xc5: {  	v0 =	vld [tilespmem:s0+$0x30]  }
0xc6: {  	[tilespmem:s2+$0xFFFFFF20] =	vst.add.f32.msk $0xffff, v1  }
0xc7: {  	[tilespmem:s2+$0xFFFFFFA0] =	vst.add.f32.msk $0xffff, v1  }
0xc8: {  	v1 =	vld [tilespmem:s0+$0xFFFFFFB0];
	_ =	sdelay $0x1  }
0xc9: {  	[tilespmem:s2+$0x30] =	vst.add.f32.msk $0xffff, v0  }
0xca: {  	[tilespmem:s2+$0xB0] =	vst.add.f32.msk $0xffff, v0  }
0xcb: {  	v0 =	vld [tilespmem:s0+$0x40]  }
0xcc: {  	[tilespmem:s2+$0xFFFFFF30] =	vst.add.f32.msk $0xffff, v1  }
0xcd: {  	[tilespmem:s2+$0xFFFFFFB0] =	vst.add.f32.msk $0xffff, v1  }
0xce: {  	v1 =	vld [tilespmem:s0+$0xFFFFFFC0];
	_ =	sdelay $0x1  }
0xcf: {  	[tilespmem:s2+$0x40] =	vst.add.f32.msk $0xffff, v0  }
0xd0: {  	[tilespmem:s2+$0xC0] =	vst.add.f32.msk $0xffff, v0  }
0xd1: {  	v0 =	vld [tilespmem:s0+$0x50]  }
0xd2: {  	[tilespmem:s2+$0xFFFFFF40] =	vst.add.f32.msk $0xffff, v1  }
0xd3: {  	[tilespmem:s2+$0xFFFFFFC0] =	vst.add.f32.msk $0xffff, v1  }
0xd4: {  	v2 =	vld [tilespmem:s0+$0xFFFFFFD0];
	_ =	sdelay $0x1  }
0xd5: {  	[tilespmem:s2+$0x50] =	vst.add.f32.msk $0xffff, v0  }
0xd6: {  	[tilespmem:s2+$0xD0] =	vst.add.f32.msk $0xffff, v0  }
0xd7: {  	v1 =	vld [tilespmem:s0+$0x60]  }
0xd8: {  	[tilespmem:s2+$0xFFFFFF50] =	vst.add.f32.msk $0xffff, v2  }
0xd9: {  	[tilespmem:s2+$0xFFFFFFD0] =	vst.add.f32.msk $0xffff, v2  }
0xda: {  	s19 =	simm.s32 $0x0;
	s21 =	simm.s32 $0x16980;
	s17 =	simm.s32 $0x5100;
	v0 =	vld [tilespmem:s0+$0xFFFFFFE0]  }
.LBB2_8:
0xdb: {  	v2 =	vld [tilespmem:s21+$0x0]  }
0xdc: {  	[tilespmem:s2+$0x60] =	vst.add.f32.msk $0xffff, v1  }
0xdd: {  	[tilespmem:s2+$0xE0] =	vst.add.f32.msk $0xffff, v1  }
0xde: {  	v1 =	vld [tilespmem:s0+$0x70]  }
0xdf: {  	v3 =	vld [tilespmem:s21+$0xFFFFFF80]  }
0xe0: {  	s2 =	sadd.s32 $0x200, s2;
	[tilespmem:s17+$0xFFFFFF60] =	vst.add.f32.msk $0xffff, v0  }
0xe1: {  	[tilespmem:s2+$0x0] =	vst.add.f32.msk $0xffff, v2  }
0xe2: {  	[tilespmem:s2+$0x80] =	vst.add.f32.msk $0xffff, v2  }
0xe3: {  	[tilespmem:s17+$0xF0] =	vst.add.f32.msk $0xffff, v1  }
0xe4: {  	s19 =	sadd.s32 $0x2, s19;
	v2 =	vld [tilespmem:s21+$0x10]  }
0xe5: {  	p3 =	slt.u32 s19, $0x4E;
	[tilespmem:s2+$0xFFFFFF00] =	vst.add.f32.msk $0xffff, v3  }
0xe6: {  	[tilespmem:s2+$0xFFFFFF80] =	vst.add.f32.msk $0xffff, v3  }
0xe7: {  	v3 =	vld [tilespmem:s21+$0xFFFFFF90]  }
0xe8: {  	[tilespmem:s17+$0xFFFFFFE0] =	vst.add.f32.msk $0xffff, v0  }
0xe9: {  	[tilespmem:s2+$0x10] =	vst.add.f32.msk $0xffff, v2  }
0xea: {  	[tilespmem:s2+$0x90] =	vst.add.f32.msk $0xffff, v2  }
0xeb: {  	v0 =	vld [tilespmem:s21+$0x20]  }
0xec: {  	[tilespmem:s2+$0xFFFFFF10] =	vst.add.f32.msk $0xffff, v3  }
0xed: {  	[tilespmem:s2+$0xFFFFFF90] =	vst.add.f32.msk $0xffff, v3  }
0xee: {  	v2 =	vld [tilespmem:s21+$0xFFFFFFA0]  }
0xef: {  	v3 =	vld [tilespmem:s0+$0xFFFFFFF0];
	s0 =	smov.u32 s21  }
0xf0: {  	[tilespmem:s2+$0x20] =	vst.add.f32.msk $0xffff, v0  }
0xf1: {  	[tilespmem:s2+$0xA0] =	vst.add.f32.msk $0xffff, v0  }
0xf2: {  	v0 =	vld [tilespmem:s21+$0x30]  }
0xf3: {  	[tilespmem:s2+$0xFFFFFF20] =	vst.add.f32.msk $0xffff, v2  }
0xf4: {  	[tilespmem:s2+$0xFFFFFFA0] =	vst.add.f32.msk $0xffff, v2  }
0xf5: {  	v2 =	vld [tilespmem:s21+$0xFFFFFFB0]  }
0xf6: {  	[tilespmem:s17+$0xFFFFFF70] =	vst.add.f32.msk $0xffff, v3  }
0xf7: {  	[tilespmem:s2+$0x30] =	vst.add.f32.msk $0xffff, v0  }
0xf8: {  	[tilespmem:s2+$0xB0] =	vst.add.f32.msk $0xffff, v0  }
0xf9: {  	v0 =	vld [tilespmem:s21+$0x40]  }
0xfa: {  	[tilespmem:s2+$0xFFFFFF30] =	vst.add.f32.msk $0xffff, v2  }
0xfb: {  	[tilespmem:s2+$0xFFFFFFB0] =	vst.add.f32.msk $0xffff, v2  }
0xfc: {  	v2 =	vld [tilespmem:s21+$0xFFFFFFC0]  }
0xfd: {  	[tilespmem:s17+$0xFFFFFFF0] =	vst.add.f32.msk $0xffff, v3  }
0xfe: {  	[tilespmem:s2+$0x40] =	vst.add.f32.msk $0xffff, v0  }
0xff: {  	[tilespmem:s2+$0xC0] =	vst.add.f32.msk $0xffff, v0  }
0x100: {  	v0 =	vld [tilespmem:s21+$0x50]  }
0x101: {  	[tilespmem:s2+$0xFFFFFF40] =	vst.add.f32.msk $0xffff, v2  }
0x102: {  	[tilespmem:s2+$0xFFFFFFC0] =	vst.add.f32.msk $0xffff, v2  }
0x103: {  	v2 =	vld [tilespmem:s21+$0xFFFFFFD0]  }
0x104: {  	[tilespmem:s17+$0x70] =	vst.add.f32.msk $0xffff, v1;
	s17 =	smov.u32 s2  }
0x105: {  	[tilespmem:s2+$0x50] =	vst.add.f32.msk $0xffff, v0  }
.Ltmp7:
0x106: {  	[tilespmem:s2+$0xD0] =	vst.add.f32.msk $0xffff, v0;
	(pc) =	sbr.rel @p3 .LBB2_8-.Ltmp7, $4  }
0x107: {  	v1 =	vld [tilespmem:s21+$0x60]  }
0x108: {  	[tilespmem:s2+$0xFFFFFF50] =	vst.add.f32.msk $0xffff, v2  }
0x109: {  	[tilespmem:s2+$0xFFFFFFD0] =	vst.add.f32.msk $0xffff, v2  }
0x10a: {  	s21 =	sadd.s32 $0x100, s21;
	v0 =	vld [tilespmem:s0+$0xFFFFFFE0]  }
0x10b: {  	_ = 	snop  }
0x10c: {  	[tilespmem:s2+$0x60] =	vst.add.f32.msk $0xffff, v1  }
0x10d: {  	[tilespmem:s2+$0xE0] =	vst.add.f32.msk $0xffff, v1  }
0x10e: {  	v1 =	vld [tilespmem:s0+$0x70]  }
0x10f: {  	[tilespmem:s17+$0xFFFFFF60] =	vst.add.f32.msk $0xffff, v0  }
0x110: {  	[tilespmem:s17+$0xFFFFFFE0] =	vst.add.f32.msk $0xffff, v0  }
0x111: {  	v0 =	vld [tilespmem:s0+$0xFFFFFFF0];
	_ =	sdelay $0x1  }
0x112: {  	s31 =	sshll.u32 s31, $0x5  }
0x113: {  	s0 =	sor.u32 s6, s31;
	[tilespmem:s17+$0xF0] =	vst.add.f32.msk $0xffff, v1  }
0x114: {  	s0 =	smul.u32 $0xA00, s0;
	[tilespmem:s17+$0x70] =	vst.add.f32.msk $0xffff, v1  }
0x115: {  	[tilespmem:s17+$0xFFFFFF70] =	vst.add.f32.msk $0xffff, v0  }
0x116: {  	s0 =	sadd.s32 s4, s0;
	[tilespmem:s17+$0xFFFFFFF0] =	vst.add.f32.msk $0xffff, v0  }
0x117: {  	[hbm4b:s0+s5] =	stream.linear.scatter [tilespmem:s18], [sflag:$0x6], $0x5000, $0x38;
	[tilespmem:$0x1E000] =	vst v63  }
0x118: {  	s0 =	sadd.s32 $0x4, s30  }
0x119: {  	p3 =	sge.u32 s0, s7  }
0x11a: {  	s0 =	sshll.u32 @!p3 s0, $0x5  }
0x11b: {  	s2 =	simm.s32 @!p3 $0x5;
	s0 =	sor.u32 @!p3 s6, s0  }
0x11c: {  	_ =	swait.ge @!p3 [sflag:s2], $0x5000;
	s17 =	smul.u32 @!p3 $0xA00, s0  }
0x11d: {  	[sflag:s2] =	ssyncset.done @!p3 $0x0;
	s0 =	smul.u32 @!p3 $0x500, s0  }
0x11e: {  	[sflag:s2] =	ssyncadd.s32 @!p3 $0xFFFFB000;
	s2 =	sadd.s32 @!p3 s1, s17;
	s17 =	simm.s32 @!p3 $0x0  }
0x11f: {  	[tilespmem:s17], [sflag:$0x1] =	stream.linear.gather @!p3 [hbm4b:s2+s17], $0x5000, $0x38;
	[tilespmem:$0x1E000] =	vst v63  }
0x120: {  	s0 =	sadd.s32 @!p3 s3, s0;
	s2 =	simm.s32 @!p3 $0x14000  }
0x121: {  	[tilespmem:s2], [sflag:$0x1] =	stream.linear.gather @!p3 [hbm4b:s0+s17], $0x2800, $0x38;
	[tilespmem:$0x1E000] =	vst v63  }
.LBB2_10:
0x122: {  	s31 =	sor.u32 $0x2, s30  }
0x123: {  	p3 =	sge.u32 s31, s7  }
.Ltmp8:
0x124: {  	_ = 	snop;
	(pc) =	sbr.rel @p3 .LBB2_14-.Ltmp8, $1  }
0x125: {  	_ =	sdelay $0x3  }
0x126: {  	_ =	swait.ge [sflag:s24], $0x5000  }
0x127: {  	[sflag:s24] =	ssyncset.done $0x0  }
0x128: {  	[sflag:s24] =	ssyncadd.s32 $0xFFFFB000  }
0x129: {  	_ =	swait.ge [sflag:s24], $0x2800  }
0x12a: {  	[sflag:s24] =	ssyncset.done $0x0  }
0x12b: {  	s0 =	simm.s32 $0x19080;
	[sflag:s24] =	ssyncadd.s32 $0xFFFFD800  }
0x12c: {  	v0 =	vld [tilespmem:s0+$0x0];
	_ =	sdelay $0x2  }
0x12d: {  	v1 =	vld [tilespmem:s0+$0xFFFFFF80]  }
0x12e: {  	s2 =	simm.s32 $0xA100  }
0x12f: {  	[tilespmem:s2+$0x0] =	vst.add.f32.msk $0xffff, v0  }
0x130: {  	[tilespmem:s2+$0x80] =	vst.add.f32.msk $0xffff, v0  }
0x131: {  	v0 =	vld [tilespmem:s0+$0x10]  }
0x132: {  	[tilespmem:s2+$0xFFFFFF00] =	vst.add.f32.msk $0xffff, v1  }
0x133: {  	[tilespmem:s2+$0xFFFFFF80] =	vst.add.f32.msk $0xffff, v1  }
0x134: {  	v1 =	vld [tilespmem:s0+$0xFFFFFF90];
	_ =	sdelay $0x1  }
0x135: {  	[tilespmem:s2+$0x10] =	vst.add.f32.msk $0xffff, v0  }
0x136: {  	[tilespmem:s2+$0x90] =	vst.add.f32.msk $0xffff, v0  }
0x137: {  	v0 =	vld [tilespmem:s0+$0x20]  }
0x138: {  	[tilespmem:s2+$0xFFFFFF10] =	vst.add.f32.msk $0xffff, v1  }
0x139: {  	[tilespmem:s2+$0xFFFFFF90] =	vst.add.f32.msk $0xffff, v1  }
0x13a: {  	v1 =	vld [tilespmem:s0+$0xFFFFFFA0];
	_ =	sdelay $0x1  }
0x13b: {  	[tilespmem:s2+$0x20] =	vst.add.f32.msk $0xffff, v0  }
0x13c: {  	[tilespmem:s2+$0xA0] =	vst.add.f32.msk $0xffff, v0  }
0x13d: {  	v0 =	vld [tilespmem:s0+$0x30]  }
0x13e: {  	[tilespmem:s2+$0xFFFFFF20] =	vst.add.f32.msk $0xffff, v1  }
0x13f: {  	[tilespmem:s2+$0xFFFFFFA0] =	vst.add.f32.msk $0xffff, v1  }
0x140: {  	v1 =	vld [tilespmem:s0+$0xFFFFFFB0];
	_ =	sdelay $0x1  }
0x141: {  	[tilespmem:s2+$0x30] =	vst.add.f32.msk $0xffff, v0  }
0x142: {  	[tilespmem:s2+$0xB0] =	vst.add.f32.msk $0xffff, v0  }
0x143: {  	v0 =	vld [tilespmem:s0+$0x40]  }
0x144: {  	[tilespmem:s2+$0xFFFFFF30] =	vst.add.f32.msk $0xffff, v1  }
0x145: {  	[tilespmem:s2+$0xFFFFFFB0] =	vst.add.f32.msk $0xffff, v1  }
0x146: {  	v1 =	vld [tilespmem:s0+$0xFFFFFFC0];
	_ =	sdelay $0x1  }
0x147: {  	[tilespmem:s2+$0x40] =	vst.add.f32.msk $0xffff, v0  }
0x148: {  	[tilespmem:s2+$0xC0] =	vst.add.f32.msk $0xffff, v0  }
0x149: {  	v0 =	vld [tilespmem:s0+$0x50]  }
0x14a: {  	[tilespmem:s2+$0xFFFFFF40] =	vst.add.f32.msk $0xffff, v1  }
0x14b: {  	[tilespmem:s2+$0xFFFFFFC0] =	vst.add.f32.msk $0xffff, v1  }
0x14c: {  	v2 =	vld [tilespmem:s0+$0xFFFFFFD0];
	_ =	sdelay $0x1  }
0x14d: {  	[tilespmem:s2+$0x50] =	vst.add.f32.msk $0xffff, v0  }
0x14e: {  	[tilespmem:s2+$0xD0] =	vst.add.f32.msk $0xffff, v0  }
0x14f: {  	v1 =	vld [tilespmem:s0+$0x60]  }
0x150: {  	[tilespmem:s2+$0xFFFFFF50] =	vst.add.f32.msk $0xffff, v2  }
0x151: {  	[tilespmem:s2+$0xFFFFFFD0] =	vst.add.f32.msk $0xffff, v2  }
0x152: {  	s19 =	simm.s32 $0x0;
	s21 =	simm.s32 $0x19180;
	s17 =	simm.s32 $0xA100;
	v0 =	vld [tilespmem:s0+$0xFFFFFFE0]  }
.LBB2_12:
0x153: {  	v2 =	vld [tilespmem:s21+$0x0]  }
0x154: {  	[tilespmem:s2+$0x60] =	vst.add.f32.msk $0xffff, v1  }
0x155: {  	[tilespmem:s2+$0xE0] =	vst.add.f32.msk $0xffff, v1  }
0x156: {  	v1 =	vld [tilespmem:s0+$0x70]  }
0x157: {  	v3 =	vld [tilespmem:s21+$0xFFFFFF80]  }
0x158: {  	s2 =	sadd.s32 $0x200, s2;
	[tilespmem:s17+$0xFFFFFF60] =	vst.add.f32.msk $0xffff, v0  }
0x159: {  	[tilespmem:s2+$0x0] =	vst.add.f32.msk $0xffff, v2  }
0x15a: {  	[tilespmem:s2+$0x80] =	vst.add.f32.msk $0xffff, v2  }
0x15b: {  	[tilespmem:s17+$0xF0] =	vst.add.f32.msk $0xffff, v1  }
0x15c: {  	s19 =	sadd.s32 $0x2, s19;
	v2 =	vld [tilespmem:s21+$0x10]  }
0x15d: {  	p3 =	slt.u32 s19, $0x4E;
	[tilespmem:s2+$0xFFFFFF00] =	vst.add.f32.msk $0xffff, v3  }
0x15e: {  	[tilespmem:s2+$0xFFFFFF80] =	vst.add.f32.msk $0xffff, v3  }
0x15f: {  	v3 =	vld [tilespmem:s21+$0xFFFFFF90]  }
0x160: {  	[tilespmem:s17+$0xFFFFFFE0] =	vst.add.f32.msk $0xffff, v0  }
0x161: {  	[tilespmem:s2+$0x10] =	vst.add.f32.msk $0xffff, v2  }
0x162: {  	[tilespmem:s2+$0x90] =	vst.add.f32.msk $0xffff, v2  }
0x163: {  	v0 =	vld [tilespmem:s21+$0x20]  }
0x164: {  	[tilespmem:s2+$0xFFFFFF10] =	vst.add.f32.msk $0xffff, v3  }
0x165: {  	[tilespmem:s2+$0xFFFFFF90] =	vst.add.f32.msk $0xffff, v3  }
0x166: {  	v2 =	vld [tilespmem:s21+$0xFFFFFFA0]  }
0x167: {  	v3 =	vld [tilespmem:s0+$0xFFFFFFF0];
	s0 =	smov.u32 s21  }
0x168: {  	[tilespmem:s2+$0x20] =	vst.add.f32.msk $0xffff, v0  }
0x169: {  	[tilespmem:s2+$0xA0] =	vst.add.f32.msk $0xffff, v0  }
0x16a: {  	v0 =	vld [tilespmem:s21+$0x30]  }
0x16b: {  	[tilespmem:s2+$0xFFFFFF20] =	vst.add.f32.msk $0xffff, v2  }
0x16c: {  	[tilespmem:s2+$0xFFFFFFA0] =	vst.add.f32.msk $0xffff, v2  }
0x16d: {  	v2 =	vld [tilespmem:s21+$0xFFFFFFB0]  }
0x16e: {  	[tilespmem:s17+$0xFFFFFF70] =	vst.add.f32.msk $0xffff, v3  }
0x16f: {  	[tilespmem:s2+$0x30] =	vst.add.f32.msk $0xffff, v0  }
0x170: {  	[tilespmem:s2+$0xB0] =	vst.add.f32.msk $0xffff, v0  }
0x171: {  	v0 =	vld [tilespmem:s21+$0x40]  }
0x172: {  	[tilespmem:s2+$0xFFFFFF30] =	vst.add.f32.msk $0xffff, v2  }
0x173: {  	[tilespmem:s2+$0xFFFFFFB0] =	vst.add.f32.msk $0xffff, v2  }
0x174: {  	v2 =	vld [tilespmem:s21+$0xFFFFFFC0]  }
0x175: {  	[tilespmem:s17+$0xFFFFFFF0] =	vst.add.f32.msk $0xffff, v3  }
0x176: {  	[tilespmem:s2+$0x40] =	vst.add.f32.msk $0xffff, v0  }
0x177: {  	[tilespmem:s2+$0xC0] =	vst.add.f32.msk $0xffff, v0  }
0x178: {  	v0 =	vld [tilespmem:s21+$0x50]  }
0x179: {  	[tilespmem:s2+$0xFFFFFF40] =	vst.add.f32.msk $0xffff, v2  }
0x17a: {  	[tilespmem:s2+$0xFFFFFFC0] =	vst.add.f32.msk $0xffff, v2  }
0x17b: {  	v2 =	vld [tilespmem:s21+$0xFFFFFFD0]  }
0x17c: {  	[tilespmem:s17+$0x70] =	vst.add.f32.msk $0xffff, v1;
	s17 =	smov.u32 s2  }
0x17d: {  	[tilespmem:s2+$0x50] =	vst.add.f32.msk $0xffff, v0  }
.Ltmp9:
0x17e: {  	[tilespmem:s2+$0xD0] =	vst.add.f32.msk $0xffff, v0;
	(pc) =	sbr.rel @p3 .LBB2_12-.Ltmp9, $4  }
0x17f: {  	v1 =	vld [tilespmem:s21+$0x60]  }
0x180: {  	[tilespmem:s2+$0xFFFFFF50] =	vst.add.f32.msk $0xffff, v2  }
0x181: {  	[tilespmem:s2+$0xFFFFFFD0] =	vst.add.f32.msk $0xffff, v2  }
0x182: {  	s21 =	sadd.s32 $0x100, s21;
	v0 =	vld [tilespmem:s0+$0xFFFFFFE0]  }
0x183: {  	_ = 	snop  }
0x184: {  	[tilespmem:s2+$0x60] =	vst.add.f32.msk $0xffff, v1  }
0x185: {  	[tilespmem:s2+$0xE0] =	vst.add.f32.msk $0xffff, v1  }
0x186: {  	v1 =	vld [tilespmem:s0+$0x70]  }
0x187: {  	[tilespmem:s17+$0xFFFFFF60] =	vst.add.f32.msk $0xffff, v0  }
0x188: {  	[tilespmem:s17+$0xFFFFFFE0] =	vst.add.f32.msk $0xffff, v0  }
0x189: {  	v0 =	vld [tilespmem:s0+$0xFFFFFFF0];
	_ =	sdelay $0x1  }
0x18a: {  	s31 =	sshll.u32 s31, $0x5  }
0x18b: {  	s0 =	sor.u32 s6, s31;
	[tilespmem:s17+$0xF0] =	vst.add.f32.msk $0xffff, v1  }
0x18c: {  	s0 =	smul.u32 $0xA00, s0;
	[tilespmem:s17+$0x70] =	vst.add.f32.msk $0xffff, v1  }
0x18d: {  	[tilespmem:s17+$0xFFFFFF70] =	vst.add.f32.msk $0xffff, v0  }
0x18e: {  	s0 =	sadd.s32 s4, s0;
	[tilespmem:s17+$0xFFFFFFF0] =	vst.add.f32.msk $0xffff, v0  }
0x18f: {  	[hbm4b:s0+s5] =	stream.linear.scatter [tilespmem:s20], [sflag:$0x7], $0x5000, $0x38;
	[tilespmem:$0x1E000] =	vst v63  }
0x190: {  	s0 =	sadd.s32 $0x5, s30  }
0x191: {  	p3 =	sge.u32 s0, s7  }
0x192: {  	s0 =	sshll.u32 @!p3 s0, $0x5  }
0x193: {  	s2 =	simm.s32 @!p3 $0x6;
	s0 =	sor.u32 @!p3 s6, s0  }
0x194: {  	_ =	swait.ge @!p3 [sflag:s2], $0x5000;
	s17 =	smul.u32 @!p3 $0xA00, s0  }
0x195: {  	s19 =	simm.s32 @!p3 $0x5000;
	[sflag:s2] =	ssyncset.done @!p3 $0x0;
	s0 =	smul.u32 @!p3 $0x500, s0  }
0x196: {  	[sflag:s2] =	ssyncadd.s32 @!p3 $0xFFFFB000;
	s2 =	sadd.s32 @!p3 s1, s17;
	s17 =	simm.s32 @!p3 $0x0  }
0x197: {  	[tilespmem:s19], [sflag:$0x2] =	stream.linear.gather @!p3 [hbm4b:s2+s17], $0x5000, $0x38;
	[tilespmem:$0x1E000] =	vst v63  }
0x198: {  	s0 =	sadd.s32 @!p3 s3, s0;
	s2 =	simm.s32 @!p3 $0x16800  }
0x199: {  	[tilespmem:s2], [sflag:$0x2] =	stream.linear.gather @!p3 [hbm4b:s0+s17], $0x2800, $0x38;
	[tilespmem:$0x1E000] =	vst v63  }
.LBB2_14:
0x19a: {  	s31 =	sor.u32 $0x3, s30  }
0x19b: {  	p3 =	sge.u32 s31, s7  }
.Ltmp10:
0x19c: {  	_ = 	snop;
	(pc) =	sbr.rel @p3 .LBB2_18-.Ltmp10, $1  }
0x19d: {  	_ =	sdelay $0x3  }
0x19e: {  	_ =	swait.ge [sflag:s25], $0x5000  }
0x19f: {  	[sflag:s25] =	ssyncset.done $0x0  }
0x1a0: {  	[sflag:s25] =	ssyncadd.s32 $0xFFFFB000  }
0x1a1: {  	_ =	swait.ge [sflag:s25], $0x2800  }
0x1a2: {  	[sflag:s25] =	ssyncset.done $0x0  }
0x1a3: {  	s0 =	simm.s32 $0x1B880;
	[sflag:s25] =	ssyncadd.s32 $0xFFFFD800  }
0x1a4: {  	v0 =	vld [tilespmem:s0+$0x0];
	_ =	sdelay $0x2  }
0x1a5: {  	v1 =	vld [tilespmem:s0+$0xFFFFFF80]  }
0x1a6: {  	s2 =	simm.s32 $0xF100  }
0x1a7: {  	[tilespmem:s2+$0x0] =	vst.add.f32.msk $0xffff, v0  }
0x1a8: {  	[tilespmem:s2+$0x80] =	vst.add.f32.msk $0xffff, v0  }
0x1a9: {  	v0 =	vld [tilespmem:s0+$0x10]  }
0x1aa: {  	[tilespmem:s2+$0xFFFFFF00] =	vst.add.f32.msk $0xffff, v1  }
0x1ab: {  	[tilespmem:s2+$0xFFFFFF80] =	vst.add.f32.msk $0xffff, v1  }
0x1ac: {  	v1 =	vld [tilespmem:s0+$0xFFFFFF90];
	_ =	sdelay $0x1  }
0x1ad: {  	[tilespmem:s2+$0x10] =	vst.add.f32.msk $0xffff, v0  }
0x1ae: {  	[tilespmem:s2+$0x90] =	vst.add.f32.msk $0xffff, v0  }
0x1af: {  	v0 =	vld [tilespmem:s0+$0x20]  }
0x1b0: {  	[tilespmem:s2+$0xFFFFFF10] =	vst.add.f32.msk $0xffff, v1  }
0x1b1: {  	[tilespmem:s2+$0xFFFFFF90] =	vst.add.f32.msk $0xffff, v1  }
0x1b2: {  	v1 =	vld [tilespmem:s0+$0xFFFFFFA0];
	_ =	sdelay $0x1  }
0x1b3: {  	[tilespmem:s2+$0x20] =	vst.add.f32.msk $0xffff, v0  }
0x1b4: {  	[tilespmem:s2+$0xA0] =	vst.add.f32.msk $0xffff, v0  }
0x1b5: {  	v0 =	vld [tilespmem:s0+$0x30]  }
0x1b6: {  	[tilespmem:s2+$0xFFFFFF20] =	vst.add.f32.msk $0xffff, v1  }
0x1b7: {  	[tilespmem:s2+$0xFFFFFFA0] =	vst.add.f32.msk $0xffff, v1  }
0x1b8: {  	v1 =	vld [tilespmem:s0+$0xFFFFFFB0];
	_ =	sdelay $0x1  }
0x1b9: {  	[tilespmem:s2+$0x30] =	vst.add.f32.msk $0xffff, v0  }
0x1ba: {  	[tilespmem:s2+$0xB0] =	vst.add.f32.msk $0xffff, v0  }
0x1bb: {  	v0 =	vld [tilespmem:s0+$0x40]  }
0x1bc: {  	[tilespmem:s2+$0xFFFFFF30] =	vst.add.f32.msk $0xffff, v1  }
0x1bd: {  	[tilespmem:s2+$0xFFFFFFB0] =	vst.add.f32.msk $0xffff, v1  }
0x1be: {  	v1 =	vld [tilespmem:s0+$0xFFFFFFC0];
	_ =	sdelay $0x1  }
0x1bf: {  	[tilespmem:s2+$0x40] =	vst.add.f32.msk $0xffff, v0  }
0x1c0: {  	[tilespmem:s2+$0xC0] =	vst.add.f32.msk $0xffff, v0  }
0x1c1: {  	v0 =	vld [tilespmem:s0+$0x50]  }
0x1c2: {  	[tilespmem:s2+$0xFFFFFF40] =	vst.add.f32.msk $0xffff, v1  }
0x1c3: {  	[tilespmem:s2+$0xFFFFFFC0] =	vst.add.f32.msk $0xffff, v1  }
0x1c4: {  	v2 =	vld [tilespmem:s0+$0xFFFFFFD0];
	_ =	sdelay $0x1  }
0x1c5: {  	[tilespmem:s2+$0x50] =	vst.add.f32.msk $0xffff, v0  }
0x1c6: {  	[tilespmem:s2+$0xD0] =	vst.add.f32.msk $0xffff, v0  }
0x1c7: {  	v1 =	vld [tilespmem:s0+$0x60]  }
0x1c8: {  	[tilespmem:s2+$0xFFFFFF50] =	vst.add.f32.msk $0xffff, v2  }
0x1c9: {  	[tilespmem:s2+$0xFFFFFFD0] =	vst.add.f32.msk $0xffff, v2  }
0x1ca: {  	s19 =	simm.s32 $0x0;
	s21 =	simm.s32 $0x1B980;
	s17 =	simm.s32 $0xF100;
	v0 =	vld [tilespmem:s0+$0xFFFFFFE0]  }
.LBB2_16:
0x1cb: {  	v2 =	vld [tilespmem:s21+$0x0]  }
0x1cc: {  	[tilespmem:s2+$0x60] =	vst.add.f32.msk $0xffff, v1  }
0x1cd: {  	[tilespmem:s2+$0xE0] =	vst.add.f32.msk $0xffff, v1  }
0x1ce: {  	v1 =	vld [tilespmem:s0+$0x70]  }
0x1cf: {  	v3 =	vld [tilespmem:s21+$0xFFFFFF80]  }
0x1d0: {  	s2 =	sadd.s32 $0x200, s2;
	[tilespmem:s17+$0xFFFFFF60] =	vst.add.f32.msk $0xffff, v0  }
0x1d1: {  	[tilespmem:s2+$0x0] =	vst.add.f32.msk $0xffff, v2  }
0x1d2: {  	[tilespmem:s2+$0x80] =	vst.add.f32.msk $0xffff, v2  }
0x1d3: {  	[tilespmem:s17+$0xF0] =	vst.add.f32.msk $0xffff, v1  }
0x1d4: {  	s19 =	sadd.s32 $0x2, s19;
	v2 =	vld [tilespmem:s21+$0x10]  }
0x1d5: {  	p3 =	slt.u32 s19, $0x4E;
	[tilespmem:s2+$0xFFFFFF00] =	vst.add.f32.msk $0xffff, v3  }
0x1d6: {  	[tilespmem:s2+$0xFFFFFF80] =	vst.add.f32.msk $0xffff, v3  }
0x1d7: {  	v3 =	vld [tilespmem:s21+$0xFFFFFF90]  }
0x1d8: {  	[tilespmem:s17+$0xFFFFFFE0] =	vst.add.f32.msk $0xffff, v0  }
0x1d9: {  	[tilespmem:s2+$0x10] =	vst.add.f32.msk $0xffff, v2  }
0x1da: {  	[tilespmem:s2+$0x90] =	vst.add.f32.msk $0xffff, v2  }
0x1db: {  	v0 =	vld [tilespmem:s21+$0x20]  }
0x1dc: {  	[tilespmem:s2+$0xFFFFFF10] =	vst.add.f32.msk $0xffff, v3  }
0x1dd: {  	[tilespmem:s2+$0xFFFFFF90] =	vst.add.f32.msk $0xffff, v3  }
0x1de: {  	v2 =	vld [tilespmem:s21+$0xFFFFFFA0]  }
0x1df: {  	v3 =	vld [tilespmem:s0+$0xFFFFFFF0];
	s0 =	smov.u32 s21  }
0x1e0: {  	[tilespmem:s2+$0x20] =	vst.add.f32.msk $0xffff, v0  }
0x1e1: {  	[tilespmem:s2+$0xA0] =	vst.add.f32.msk $0xffff, v0  }
0x1e2: {  	v0 =	vld [tilespmem:s21+$0x30]  }
0x1e3: {  	[tilespmem:s2+$0xFFFFFF20] =	vst.add.f32.msk $0xffff, v2  }
0x1e4: {  	[tilespmem:s2+$0xFFFFFFA0] =	vst.add.f32.msk $0xffff, v2  }
0x1e5: {  	v2 =	vld [tilespmem:s21+$0xFFFFFFB0]  }
0x1e6: {  	[tilespmem:s17+$0xFFFFFF70] =	vst.add.f32.msk $0xffff, v3  }
0x1e7: {  	[tilespmem:s2+$0x30] =	vst.add.f32.msk $0xffff, v0  }
0x1e8: {  	[tilespmem:s2+$0xB0] =	vst.add.f32.msk $0xffff, v0  }
0x1e9: {  	v0 =	vld [tilespmem:s21+$0x40]  }
0x1ea: {  	[tilespmem:s2+$0xFFFFFF30] =	vst.add.f32.msk $0xffff, v2  }
0x1eb: {  	[tilespmem:s2+$0xFFFFFFB0] =	vst.add.f32.msk $0xffff, v2  }
0x1ec: {  	v2 =	vld [tilespmem:s21+$0xFFFFFFC0]  }
0x1ed: {  	[tilespmem:s17+$0xFFFFFFF0] =	vst.add.f32.msk $0xffff, v3  }
0x1ee: {  	[tilespmem:s2+$0x40] =	vst.add.f32.msk $0xffff, v0  }
0x1ef: {  	[tilespmem:s2+$0xC0] =	vst.add.f32.msk $0xffff, v0  }
0x1f0: {  	v0 =	vld [tilespmem:s21+$0x50]  }
0x1f1: {  	[tilespmem:s2+$0xFFFFFF40] =	vst.add.f32.msk $0xffff, v2  }
0x1f2: {  	[tilespmem:s2+$0xFFFFFFC0] =	vst.add.f32.msk $0xffff, v2  }
0x1f3: {  	v2 =	vld [tilespmem:s21+$0xFFFFFFD0]  }
0x1f4: {  	[tilespmem:s17+$0x70] =	vst.add.f32.msk $0xffff, v1;
	s17 =	smov.u32 s2  }
0x1f5: {  	[tilespmem:s2+$0x50] =	vst.add.f32.msk $0xffff, v0  }
.Ltmp11:
0x1f6: {  	[tilespmem:s2+$0xD0] =	vst.add.f32.msk $0xffff, v0;
	(pc) =	sbr.rel @p3 .LBB2_16-.Ltmp11, $4  }
0x1f7: {  	v1 =	vld [tilespmem:s21+$0x60]  }
0x1f8: {  	[tilespmem:s2+$0xFFFFFF50] =	vst.add.f32.msk $0xffff, v2  }
0x1f9: {  	[tilespmem:s2+$0xFFFFFFD0] =	vst.add.f32.msk $0xffff, v2  }
0x1fa: {  	s21 =	sadd.s32 $0x100, s21;
	v0 =	vld [tilespmem:s0+$0xFFFFFFE0]  }
0x1fb: {  	_ = 	snop  }
0x1fc: {  	[tilespmem:s2+$0x60] =	vst.add.f32.msk $0xffff, v1  }
0x1fd: {  	[tilespmem:s2+$0xE0] =	vst.add.f32.msk $0xffff, v1  }
0x1fe: {  	v1 =	vld [tilespmem:s0+$0x70]  }
0x1ff: {  	[tilespmem:s17+$0xFFFFFF60] =	vst.add.f32.msk $0xffff, v0  }
0x200: {  	[tilespmem:s17+$0xFFFFFFE0] =	vst.add.f32.msk $0xffff, v0  }
0x201: {  	v0 =	vld [tilespmem:s0+$0xFFFFFFF0];
	_ =	sdelay $0x1  }
0x202: {  	s31 =	sshll.u32 s31, $0x5  }
0x203: {  	s0 =	sor.u32 s6, s31;
	[tilespmem:s17+$0xF0] =	vst.add.f32.msk $0xffff, v1  }
0x204: {  	s0 =	smul.u32 $0xA00, s0;
	[tilespmem:s17+$0x70] =	vst.add.f32.msk $0xffff, v1  }
0x205: {  	[tilespmem:s17+$0xFFFFFF70] =	vst.add.f32.msk $0xffff, v0  }
0x206: {  	s0 =	sadd.s32 s4, s0;
	[tilespmem:s17+$0xFFFFFFF0] =	vst.add.f32.msk $0xffff, v0  }
0x207: {  	[hbm4b:s0+s5] =	stream.linear.scatter [tilespmem:s26], [sflag:$0x8], $0x5000, $0x38;
	[tilespmem:$0x1E000] =	vst v63  }
0x208: {  	s0 =	sadd.s32 $0x6, s30  }
0x209: {  	p3 =	sge.u32 s0, s7  }
0x20a: {  	s0 =	sshll.u32 @!p3 s0, $0x5  }
0x20b: {  	s0 =	sor.u32 @!p3 s6, s0  }
0x20c: {  	s2 =	simm.s32 @!p3 $0x7;
	s17 =	smul.u32 @!p3 $0xA00, s0  }
0x20d: {  	_ =	swait.ge @!p3 [sflag:s2], $0x5000;
	s0 =	smul.u32 @!p3 $0x500, s0  }
.Ltmp12:
0x20e: {  	s19 =	simm.s32 @!p3 $0xA000;
	[sflag:s2] =	ssyncset.done @!p3 $0x0;
	(pc) =	sbr.rel .LBB2_18-.Ltmp12, $4  }
0x20f: {  	[sflag:s2] =	ssyncadd.s32 @!p3 $0xFFFFB000;
	s2 =	sadd.s32 @!p3 s1, s17;
	s17 =	simm.s32 @!p3 $0x0  }
0x210: {  	[tilespmem:s19], [sflag:$0x3] =	stream.linear.gather @!p3 [hbm4b:s2+s17], $0x5000, $0x38;
	[tilespmem:$0x1E000] =	vst v63  }
0x211: {  	s0 =	sadd.s32 @!p3 s3, s0;
	s2 =	simm.s32 @!p3 $0x19000  }
0x212: {  	[tilespmem:s2], [sflag:$0x3] =	stream.linear.gather @!p3 [hbm4b:s0+s17], $0x2800, $0x38;
	[tilespmem:$0x1E000] =	vst v63  }
.LBB2_20:
0x213: {  	_ =	sfence.sel $0x180000  }
0x214: {  	[bflag:$0x0] =	sbarrier.arrive $0xFFFF  }
0x215: {  	_ =	strace $0x90000047  }
0x216: {  	s0 =	stileid.u32;
	[bflag:$0x2] =	sbarrier.arrive $0xFFFF  }
0x217: {  	p0 =	sne.s32 s0, $0x0;
	s0 =	rddreg [dreg:$0x3]  }
0x218: {  	s0 =	sadd.s32 @!p0 $0x100000, s0  }
0x219: {  	[sflag:s0] =	ssyncadd.tile.s32 @!p0 $0x1;
	_ =	shalt  }
.Lfunc_end2:
_tile_overlayer_lowered:
.L_overlay_start_2:
0x21a: {  	(tag) =	ssettag $0x2  }
0x21b: {  	s0 =	rddreg [dreg:$0x0];
	s2 =	stileid.u32  }
0x21c: {  	s1 =	rddreg [dreg:$0x1];
	p0 =	sne.s32 s2, $0x0  }
0x21d: {  	s3 =	rddreg [dreg:$0x2];
	[bflag:$0x3] =	sbarrier.arrive $0xFFFF;
	s2 =	simm.s32 @!p0 $0x1C09  }
0x21e: {  	[timem:s3], [sflag:s2] =	dma.local @!p0 [hbm:s0], s1  }
0x21f: {  	s0 =	simm.s32 @!p0 $0x9  }
0x220: {  	_ =	swait.ge @!p0 [sflag:s0], s1  }
0x221: {  	s1 =	ssub.s32 @!p0 $0x0, s1;
	[sflag:s0] =	ssyncset.done @!p0 $0x0  }
0x222: {  	[sflag:s0] =	ssyncadd.s32 @!p0 s1  }
0x223: {  	[bflag:$0x3] =	sbarrier.arrive $0xFFFF  }
0x224: {  	_ =	shalt  }

</sc_bundles>
